<compile_context>
chip_gen: v7x
topology: tpu7x:2x2x1
jax: 0.10.2.dev20260603
libtpu: 0.0.44.dev20260713+nightly
codegen_flags: <defaults>
</compile_context>

<pallas_src>
import functools

import jax
import jax.numpy as jnp
from jax import lax
from jax.experimental import pallas as pl
from jax.experimental.pallas import tpu as pltpu
from jax.experimental.pallas import tpu_sc as plsc

N = 100000
NBINS = 10001
HB = 10240
HTOT = 2 * HB
DEAD = HB - 1
NC = 2
NS = 16
NW = NC * NS
EPW = N // NW
WIN = 3200
NCHUNK = WIN // 128
VPC = 128 // 16


def _hist_kernel(preds_hbm, targs_hbm, out_hbm, pred_v, targ_v, idx_v,
                 ones_v, zero_v, shist, sem, insem):
    c = lax.axis_index("c")
    s = lax.axis_index("s")
    wid = s * NC + c
    lo = wid * EPW
    hi = lo + EPW
    base = jnp.minimum((lo // 8) * 8, N - WIN)

    in_cp = [
        pltpu.async_copy(preds_hbm.at[pl.ds(base, WIN)], pred_v, insem),
        pltpu.async_copy(targs_hbm.at[pl.ds(base, WIN)], targ_v, insem),
    ]

    ones16 = jnp.full((16,), 1.0, dtype=jnp.float32)
    zero16 = jnp.zeros((16,), dtype=jnp.float32)
    for k in range(128 // 16):
        ones_v[pl.ds(k * 16, 16)] = ones16

    @plsc.parallel_loop(0, (HTOT // NS) // 16)
    def _zinit(i):
        zero_v[pl.ds(i * 16, 16)] = zero16

    stripe = HTOT // NS
    pltpu.sync_copy(zero_v, shist.at[pl.ds(s * stripe, stripe)])

    plsc.subcore_barrier()
    for cp in in_cp:
        cp.wait()

    lane = lax.iota(jnp.int32, 16)
    dead = NBINS + 7 + s * 14 + lane

    @plsc.parallel_loop(0, NCHUNK, unroll=1)
    def _chunk(j):
        for k in range(VPC):
            off = j * 128 + k * 16
            g = base + off + lane
            p = pred_v[pl.ds(off, 16)]
            t = targ_v[pl.ds(off, 16)]
            sg = 1.0 / (1.0 + jnp.exp(-p))
            b = (10000.0 * sg).astype(jnp.int32)
            idx = jnp.where(t >= 0.5, b + HB, b)
            idx = jnp.where((g >= lo) & (g < hi), idx, dead)
            idx_v[j, pl.ds(k * 16, 16)] = idx
        pltpu.async_copy(ones_v, shist.at[idx_v.at[j]], sem, add=True)

    drain = pltpu.make_async_copy(ones_v, shist.at[idx_v.at[0]], sem)
    for _ in range(NCHUNK):
        drain.wait()

    plsc.subcore_barrier()

    @pl.when(s == 0)
    def _():
        pltpu.sync_copy(shist, out_hbm.at[c])


@functools.cache
def _make_hist():
    return pl.kernel(
        _hist_kernel,
        out_type=jax.ShapeDtypeStruct((NC, HTOT), jnp.float32),
        mesh=plsc.VectorSubcoreMesh(core_axis_name="c", subcore_axis_name="s",
                                    num_cores=NC, num_subcores=NS),
        scratch_types=[
            pltpu.VMEM((WIN,), jnp.float32),
            pltpu.VMEM((WIN,), jnp.float32),
            pltpu.VMEM((NCHUNK, 128), jnp.int32),
            pltpu.VMEM((128,), jnp.float32),
            pltpu.VMEM((HTOT // NS,), jnp.float32),
            pltpu.VMEM_SHARED((HTOT,), jnp.float32),
            pltpu.SemaphoreType.DMA,
            pltpu.SemaphoreType.DMA,
        ],
    )


def _auc_kernel(hist_ref, out_ref):
    h2 = hist_ref[0]
    for i in range(1, NC):
        h2 = h2 + hist_ref[i]
    h = h2.reshape(2 * HB // 128, 128)
    fp = h[: HB // 128, :]
    tp = h[HB // 128 :, :]
    r = lax.broadcasted_iota(jnp.int32, (HB // 128, 128), 0)
    col = lax.broadcasted_iota(jnp.int32, (HB // 128, 128), 1)
    live = (r * 128 + col) < NBINS
    fp = jnp.where(live, fp, 0.0)
    tp = jnp.where(live, tp, 0.0)

    ii = lax.broadcasted_iota(jnp.int32, (128, 128), 0)
    jj = lax.broadcasted_iota(jnp.int32, (128, 128), 1)
    u_strict = (ii < jj).astype(jnp.float32)
    pre_in_row = lax.dot(tp, u_strict, precision=lax.Precision.HIGHEST)

    nrow = HB // 128
    rs = jnp.sum(tp, axis=1, keepdims=True)
    aa = lax.broadcasted_iota(jnp.int32, (nrow, nrow), 0)
    bb = lax.broadcasted_iota(jnp.int32, (nrow, nrow), 1)
    l_strict = (bb < aa).astype(jnp.float32)
    row_pre = lax.dot(l_strict, rs, precision=lax.Precision.HIGHEST)

    p_tot = jnp.sum(tp, keepdims=True).reshape(1, 1)
    f_tot = jnp.sum(fp, keepdims=True).reshape(1, 1)
    t_suf = p_tot - (row_pre + pre_in_row)
    num = jnp.sum(fp * (t_suf - 0.5 * tp), keepdims=True).reshape(1, 1)
    out_ref[...] = num / (p_tot * f_tot)


def kernel(preds, targets):
    hist = _make_hist()(preds.reshape(-1), targets.reshape(-1))
    auc = pl.pallas_call(
        _auc_kernel,
        out_shape=jax.ShapeDtypeStruct((1, 1), jnp.float32),
    )(hist)
    return auc[0, 0]

# --- scband reference (transcript-rebuilt; emitter-appended) ---
"""Pipeline reference for scband-auc-8134668058855 (READ-ONLY COPY).

The authoritative reference and input builder live on the scoring server;
editing this copy changes nothing except your own understanding.
"""

import jax, jax.numpy as jnp
import numpy as np

NBINS = 10001

def setup_inputs(seed: int = 0) -> dict:
    key = jax.random.key(seed)
    k1, k2 = jax.random.split(key)
    preds = jax.random.normal(k1, (100000,), dtype=jnp.float32)
    targets = jax.random.uniform(k2, (100000,), dtype=jnp.float32)
    return {"preds": preds, "targets": targets}

def _eval_auc(tp, fp):
    tp_total = jnp.sum(tp)
    fp_total = jnp.sum(fp)
    tp_reverse = tp[::-1]
    tp_reverse_cum = jnp.cumsum(tp_reverse) - tp_reverse / 2.0
    fp_reverse = fp[::-1]
    auc = jnp.sum((tp_reverse_cum / tp_total) * (fp_reverse / fp_total))
    return auc

def reference(preds, targets):
    # quantize sigmoid(preds) into 10001 bins
    y_pred = (10000.0 * jax.nn.sigmoid(preds)).reshape(-1).astype(jnp.int32)
    y_true = targets.reshape(-1)
    pos = (y_true >= 0.5).astype(jnp.float32)
    neg = 1.0 - pos
    # scatter-add: histogram of predicted bins split by label
    tpi = jnp.zeros((NBINS,), dtype=jnp.float32).at[y_pred].add(pos)
    fpi = jnp.zeros((NBINS,), dtype=jnp.float32).at[y_pred].add(neg)
    return _eval_auc(tpi, fpi)

if __name__ == "__main__":
    import jax
    _d = setup_inputs()
    print(jax.jit(kernel)(*tuple(_d.values())))

</pallas_src>

<mosaic_0001>
#map = affine_map<(d0, d1) -> (0)>
#map1 = affine_map<(d0, d1) -> (0, 0)>
module attributes {stable_mosaic.version = 14 : i64} {
  func.func @_hist_kernel(%arg0: i32, %arg1: i32, %arg2: memref<100000xf32, #tpu.memory_space<hbm>>, %arg3: memref<100000xf32, #tpu.memory_space<hbm>>, %arg4: memref<2x20480xf32, #tpu.memory_space<hbm>>, %arg5: memref<3200xf32, #tpu.memory_space<vmem>>, %arg6: memref<3200xf32, #tpu.memory_space<vmem>>, %arg7: memref<25x128xi32, #tpu.memory_space<vmem>>, %arg8: memref<128xf32, #tpu.memory_space<vmem>>, %arg9: memref<1280xf32, #tpu.memory_space<vmem>>, %arg10: memref<20480xf32, #tpu.memory_space<vmem_shared>>, %arg11: memref<!tpu.dma_semaphore, #tpu.memory_space<semaphore_mem>>, %arg12: memref<!tpu.dma_semaphore, #tpu.memory_space<semaphore_mem>>) attributes {dimension_semantics = [#tpu.dimension_semantics<core_parallel>, #tpu.dimension_semantics<subcore_parallel>], iteration_bounds = array<i64: 2, 16>, scalar_prefetch = 0 : i64, scratch_operands = 8 : i64, tpu.core_type = #tpu.core_type<sc_vector_subcore>, window_params = [{transform_indices = #map}, {transform_indices = #map}, {transform_indices = #map1}]} {
    %mul3A = arith.constant 2 : i32
    %mul3A_0 = arith.muli %arg1, %mul3A : i32
    %add3A = arith.addi %mul3A_0, %arg0 : i32
    %mul3A_1 = arith.constant 3125 : i32
    %mul3A_2 = arith.muli %add3A, %mul3A_1 : i32
    %add3A_3 = arith.constant 3125 : i32
    %add3A_4 = arith.addi %mul3A_2, %add3A_3 : i32
    %jit3A = arith.constant 8 : i32
    %div3A = arith.divsi %mul3A_2, %jit3A : i32
    %sign3A = arith.constant 0 : i32
    %sign3A_5 = arith.cmpi sgt, %mul3A_2, %sign3A : i32
    %sign3A_6 = arith.extui %sign3A_5 : i1 to i32
    %sign3A_7 = arith.constant 0 : i32
    %sign3A_8 = arith.cmpi slt, %mul3A_2, %sign3A_7 : i32
    %sign3A_9 = arith.extui %sign3A_8 : i1 to i32
    %sign3A_10 = arith.subi %sign3A_6, %sign3A_9 : i32
    %sign3A_11 = arith.constant 0 : i32
    %sign3A_12 = arith.cmpi sgt, %jit3A, %sign3A_11 : i32
    %sign3A_13 = arith.extui %sign3A_12 : i1 to i32
    %sign3A_14 = arith.constant 0 : i32
    %sign3A_15 = arith.cmpi slt, %jit3A, %sign3A_14 : i32
    %sign3A_16 = arith.extui %sign3A_15 : i1 to i32
    %sign3A_17 = arith.subi %sign3A_13, %sign3A_16 : i32
    %ne3A = arith.cmpi ne, %sign3A_10, %sign3A_17 : i32
    %rem3A = arith.remsi %mul3A_2, %jit3A : i32
    %ne3A_18 = arith.constant 0 : i32
    %ne3A_19 = arith.cmpi ne, %rem3A, %ne3A_18 : i32
    %and3A = arith.andi %ne3A, %ne3A_19 : i1
    %sub3A = arith.constant 1 : i32
    %sub3A_20 = arith.subi %div3A, %sub3A : i32
    %select_n3A = arith.select %and3A, %sub3A_20, %div3A : i32
    %mul3A_21 = arith.constant 8 : i32
    %mul3A_22 = arith.muli %select_n3A, %mul3A_21 : i32
    %min3A = arith.constant 96800 : i32
    %min3A_23 = arith.minsi %mul3A_22, %min3A : i32
    %dma_start3A = tpu.memref_slice %arg2[%min3A_23] : memref<100000xf32, #tpu.memory_space<hbm>> -> memref<3200xf32, #tpu.memory_space<hbm>>
    %dma_start3A_24 = tpu.memref_slice %arg2[%min3A_23] : memref<100000xf32, #tpu.memory_space<hbm>> -> memref<3200xf32, #tpu.memory_space<hbm>>
    tpu.enqueue_dma source(%dma_start3A_24 : memref<3200xf32, #tpu.memory_space<hbm>>) target(%arg5 : memref<3200xf32, #tpu.memory_space<vmem>>) target_semaphore(%arg12 : memref<!tpu.dma_semaphore, #tpu.memory_space<semaphore_mem>>)
    %dma_start3A_25 = tpu.memref_slice %arg3[%min3A_23] : memref<100000xf32, #tpu.memory_space<hbm>> -> memref<3200xf32, #tpu.memory_space<hbm>>
    %dma_start3A_26 = tpu.memref_slice %arg3[%min3A_23] : memref<100000xf32, #tpu.memory_space<hbm>> -> memref<3200xf32, #tpu.memory_space<hbm>>
    tpu.enqueue_dma source(%dma_start3A_26 : memref<3200xf32, #tpu.memory_space<hbm>>) target(%arg6 : memref<3200xf32, #tpu.memory_space<vmem>>) target_semaphore(%arg12 : memref<!tpu.dma_semaphore, #tpu.memory_space<semaphore_mem>>)
    %broadcast_in_dim3A = arith.constant 1.000000e+00 : f32
    %broadcast_in_dim3A_27 = vector.broadcast %broadcast_in_dim3A : f32 to vector<16xf32>
    %broadcast_in_dim3A_28 = arith.constant 0.000000e+00 : f32
    %broadcast_in_dim3A_29 = vector.broadcast %broadcast_in_dim3A_28 : f32 to vector<16xf32>
    %swap3A = arith.constant 0 : index
    %swap3A_30 = tpu.vector_load %arg8[%swap3A] {strides = array<i32>} : memref<128xf32, #tpu.memory_space<vmem>>, vector<16xf32>,
    %swap3A_31 = vector.shape_cast %swap3A_30 : vector<16xf32> to vector<16xf32>
    %swap3A_32 = vector.shape_cast %broadcast_in_dim3A_27 : vector<16xf32> to vector<16xf32>
    tpu.vector_store %arg8[%swap3A], %swap3A_32 {strides = array<i32>} : memref<128xf32, #tpu.memory_space<vmem>>, vector<16xf32>,
    %swap3A_33 = arith.constant 16 : index
    %swap3A_34 = tpu.vector_load %arg8[%swap3A_33] {strides = array<i32>} : memref<128xf32, #tpu.memory_space<vmem>>, vector<16xf32>,
    %swap3A_35 = vector.shape_cast %swap3A_34 : vector<16xf32> to vector<16xf32>
    %swap3A_36 = vector.shape_cast %broadcast_in_dim3A_27 : vector<16xf32> to vector<16xf32>
    tpu.vector_store %arg8[%swap3A_33], %swap3A_36 {strides = array<i32>} : memref<128xf32, #tpu.memory_space<vmem>>, vector<16xf32>,
    %swap3A_37 = arith.constant 32 : index
    %swap3A_38 = tpu.vector_load %arg8[%swap3A_37] {strides = array<i32>} : memref<128xf32, #tpu.memory_space<vmem>>, vector<16xf32>,
    %swap3A_39 = vector.shape_cast %swap3A_38 : vector<16xf32> to vector<16xf32>
    %swap3A_40 = vector.shape_cast %broadcast_in_dim3A_27 : vector<16xf32> to vector<16xf32>
    tpu.vector_store %arg8[%swap3A_37], %swap3A_40 {strides = array<i32>} : memref<128xf32, #tpu.memory_space<vmem>>, vector<16xf32>,
    %swap3A_41 = arith.constant 48 : index
    %swap3A_42 = tpu.vector_load %arg8[%swap3A_41] {strides = array<i32>} : memref<128xf32, #tpu.memory_space<vmem>>, vector<16xf32>,
    %swap3A_43 = vector.shape_cast %swap3A_42 : vector<16xf32> to vector<16xf32>
    %swap3A_44 = vector.shape_cast %broadcast_in_dim3A_27 : vector<16xf32> to vector<16xf32>
    tpu.vector_store %arg8[%swap3A_41], %swap3A_44 {strides = array<i32>} : memref<128xf32, #tpu.memory_space<vmem>>, vector<16xf32>,
    %swap3A_45 = arith.constant 64 : index
    %swap3A_46 = tpu.vector_load %arg8[%swap3A_45] {strides = array<i32>} : memref<128xf32, #tpu.memory_space<vmem>>, vector<16xf32>,
    %swap3A_47 = vector.shape_cast %swap3A_46 : vector<16xf32> to vector<16xf32>
    %swap3A_48 = vector.shape_cast %broadcast_in_dim3A_27 : vector<16xf32> to vector<16xf32>
    tpu.vector_store %arg8[%swap3A_45], %swap3A_48 {strides = array<i32>} : memref<128xf32, #tpu.memory_space<vmem>>, vector<16xf32>,
    %swap3A_49 = arith.constant 80 : index
    %swap3A_50 = tpu.vector_load %arg8[%swap3A_49] {strides = array<i32>} : memref<128xf32, #tpu.memory_space<vmem>>, vector<16xf32>,
    %swap3A_51 = vector.shape_cast %swap3A_50 : vector<16xf32> to vector<16xf32>
    %swap3A_52 = vector.shape_cast %broadcast_in_dim3A_27 : vector<16xf32> to vector<16xf32>
    tpu.vector_store %arg8[%swap3A_49], %swap3A_52 {strides = array<i32>} : memref<128xf32, #tpu.memory_space<vmem>>, vector<16xf32>,
    %swap3A_53 = arith.constant 96 : index
    %swap3A_54 = tpu.vector_load %arg8[%swap3A_53] {strides = array<i32>} : memref<128xf32, #tpu.memory_space<vmem>>, vector<16xf32>,
    %swap3A_55 = vector.shape_cast %swap3A_54 : vector<16xf32> to vector<16xf32>
    %swap3A_56 = vector.shape_cast %broadcast_in_dim3A_27 : vector<16xf32> to vector<16xf32>
    tpu.vector_store %arg8[%swap3A_53], %swap3A_56 {strides = array<i32>} : memref<128xf32, #tpu.memory_space<vmem>>, vector<16xf32>,
    %swap3A_57 = arith.constant 112 : index
    %swap3A_58 = tpu.vector_load %arg8[%swap3A_57] {strides = array<i32>} : memref<128xf32, #tpu.memory_space<vmem>>, vector<16xf32>,
    %swap3A_59 = vector.shape_cast %swap3A_58 : vector<16xf32> to vector<16xf32>
    %swap3A_60 = vector.shape_cast %broadcast_in_dim3A_27 : vector<16xf32> to vector<16xf32>
    tpu.vector_store %arg8[%swap3A_57], %swap3A_60 {strides = array<i32>} : memref<128xf32, #tpu.memory_space<vmem>>, vector<16xf32>,
    %parallel_loop3A = arith.constant 0 : i32
    %parallel_loop3A_61 = arith.constant 80 : i32
    %parallel_loop3A_62 = arith.constant 1 : i32
    scf.for %parallel_loop3A_230 = %parallel_loop3A to %parallel_loop3A_61 step %parallel_loop3A_62  : i32 {
      %parallel_loop3A_231 = arith.constant 16 : i32
      %parallel_loop3A_232 = arith.muli %parallel_loop3A_230, %parallel_loop3A_231 : i32
      %parallel_loop3A_233 = arith.index_cast %parallel_loop3A_232 : i32 to index
      %parallel_loop3A_234 = tpu.vector_load %arg9[%parallel_loop3A_233] {strides = array<i32>} : memref<1280xf32, #tpu.memory_space<vmem>>, vector<16xf32>,
      %parallel_loop3A_235 = vector.shape_cast %parallel_loop3A_234 : vector<16xf32> to vector<16xf32>
      %parallel_loop3A_236 = vector.shape_cast %broadcast_in_dim3A_29 : vector<16xf32> to vector<16xf32>
      tpu.vector_store %arg9[%parallel_loop3A_233], %parallel_loop3A_236 {strides = array<i32>} : memref<1280xf32, #tpu.memory_space<vmem>>, vector<16xf32>,
    } {sc.loop_unroll_factor = 1 : i64, sc.parallel_access}
    %mul3A_63 = arith.constant 1280 : i32
    %mul3A_64 = arith.muli %arg1, %mul3A_63 : i32
    "tpu.region"() ({
      %run_scoped3A = tpu.sem_alloc : memref<!tpu.dma_semaphore, #tpu.memory_space<semaphore_mem>>
      %dma_start3A_230 = tpu.memref_slice %arg10[%mul3A_64] : memref<20480xf32, #tpu.memory_space<vmem_shared>> -> memref<1280xf32, #tpu.memory_space<vmem_shared>>
      %dma_start3A_231 = tpu.memref_slice %arg10[%mul3A_64] : memref<20480xf32, #tpu.memory_space<vmem_shared>> -> memref<1280xf32, #tpu.memory_space<vmem_shared>>
      tpu.enqueue_dma source(%arg9 : memref<1280xf32, #tpu.memory_space<vmem>>) target(%dma_start3A_231 : memref<1280xf32, #tpu.memory_space<vmem_shared>>) target_semaphore(%run_scoped3A : memref<!tpu.dma_semaphore, #tpu.memory_space<semaphore_mem>>)
      %dma_wait3A_232 = tpu.memref_slice %arg10[%mul3A_64] : memref<20480xf32, #tpu.memory_space<vmem_shared>> -> memref<1280xf32, #tpu.memory_space<vmem_shared>>
      %dma_wait3A_233 = tpu.memref_slice %arg10[%mul3A_64] : memref<20480xf32, #tpu.memory_space<vmem_shared>> -> memref<1280xf32, #tpu.memory_space<vmem_shared>>
      tpu.wait_dma2 semaphore(%run_scoped3A : memref<!tpu.dma_semaphore, #tpu.memory_space<semaphore_mem>>) src(%arg9 : memref<1280xf32, #tpu.memory_space<vmem>>) dst(%dma_wait3A_233 : memref<1280xf32, #tpu.memory_space<vmem_shared>>)
      tpu.yield
    }) : () -> ()
    %barrier3A = arith.constant 0 : index
    tpu.barrier barrier_id(%barrier3A)
    %dma_wait3A = tpu.memref_slice %arg2[%min3A_23] : memref<100000xf32, #tpu.memory_space<hbm>> -> memref<3200xf32, #tpu.memory_space<hbm>>
    %dma_wait3A_65 = tpu.memref_slice %arg2[%min3A_23] : memref<100000xf32, #tpu.memory_space<hbm>> -> memref<3200xf32, #tpu.memory_space<hbm>>
    tpu.wait_dma2 semaphore(%arg12 : memref<!tpu.dma_semaphore, #tpu.memory_space<semaphore_mem>>) src(%dma_wait3A_65 : memref<3200xf32, #tpu.memory_space<hbm>>) dst(%arg5 : memref<3200xf32, #tpu.memory_space<vmem>>)
    %dma_wait3A_66 = tpu.memref_slice %arg3[%min3A_23] : memref<100000xf32, #tpu.memory_space<hbm>> -> memref<3200xf32, #tpu.memory_space<hbm>>
    %dma_wait3A_67 = tpu.memref_slice %arg3[%min3A_23] : memref<100000xf32, #tpu.memory_space<hbm>> -> memref<3200xf32, #tpu.memory_space<hbm>>
    tpu.wait_dma2 semaphore(%arg12 : memref<!tpu.dma_semaphore, #tpu.memory_space<semaphore_mem>>) src(%dma_wait3A_67 : memref<3200xf32, #tpu.memory_space<hbm>>) dst(%arg6 : memref<3200xf32, #tpu.memory_space<vmem>>)
    %iota3A = tpu.iota {dimensions = array<i32: 0>} : vector<16xi32>
    %mul3A_68 = arith.constant 14 : i32
    %mul3A_69 = arith.muli %arg1, %mul3A_68 : i32
    %add3A_70 = arith.constant 10008 : i32
    %add3A_71 = arith.addi %add3A_70, %mul3A_69 : i32
    %add3A_72 = vector.broadcast %add3A_71 : i32 to vector<16xi32>
    %add3A_73 = arith.addi %add3A_72, %iota3A : vector<16xi32>
    %parallel_loop3A_74 = arith.constant 0 : i32
    %parallel_loop3A_75 = arith.constant 25 : i32
    %parallel_loop3A_76 = arith.constant 1 : i32
    scf.for %parallel_loop3A_230 = %parallel_loop3A_74 to %parallel_loop3A_75 step %parallel_loop3A_76  : i32 {
      %parallel_loop3A_231 = arith.constant 128 : i32
      %parallel_loop3A_232 = arith.muli %parallel_loop3A_230, %parallel_loop3A_231 : i32
      %parallel_loop3A_233 = arith.constant 0 : i32
      %parallel_loop3A_234 = arith.addi %parallel_loop3A_232, %parallel_loop3A_233 : i32
      %parallel_loop3A_235 = arith.addi %min3A_23, %parallel_loop3A_234 : i32
      %parallel_loop3A_236 = vector.broadcast %parallel_loop3A_235 : i32 to vector<16xi32>
      %parallel_loop3A_237 = arith.addi %parallel_loop3A_236, %iota3A : vector<16xi32>
      %parallel_loop3A_238 = arith.index_cast %parallel_loop3A_234 : i32 to index
      %parallel_loop3A_239 = tpu.vector_load %arg5[%parallel_loop3A_238] {strides = array<i32>} : memref<3200xf32, #tpu.memory_space<vmem>>, vector<16xf32>,
      %parallel_loop3A_240 = vector.shape_cast %parallel_loop3A_239 : vector<16xf32> to vector<16xf32>
      %parallel_loop3A_241 = arith.index_cast %parallel_loop3A_234 : i32 to index
      %parallel_loop3A_242 = tpu.vector_load %arg6[%parallel_loop3A_241] {strides = array<i32>} : memref<3200xf32, #tpu.memory_space<vmem>>, vector<16xf32>,
      %parallel_loop3A_243 = vector.shape_cast %parallel_loop3A_242 : vector<16xf32> to vector<16xf32>
      %parallel_loop3A_244 = arith.constant 0.000000e+00 : f32
      %parallel_loop3A_245 = vector.broadcast %parallel_loop3A_244 : f32 to vector<16xf32>
      %parallel_loop3A_246 = arith.subf %parallel_loop3A_245, %parallel_loop3A_240 : vector<16xf32>
      %parallel_loop3A_247 = math.exp %parallel_loop3A_246 : vector<16xf32>
      %parallel_loop3A_248 = arith.constant 1.000000e+00 : f32
      %parallel_loop3A_249 = vector.broadcast %parallel_loop3A_248 : f32 to vector<16xf32>
      %parallel_loop3A_250 = arith.addf %parallel_loop3A_249, %parallel_loop3A_247 : vector<16xf32>
      %parallel_loop3A_251 = arith.constant 1.000000e+00 : f32
      %parallel_loop3A_252 = vector.broadcast %parallel_loop3A_251 : f32 to vector<16xf32>
      %parallel_loop3A_253 = arith.divf %parallel_loop3A_252, %parallel_loop3A_250 : vector<16xf32>
      %parallel_loop3A_254 = arith.constant 1.000000e+04 : f32
      %parallel_loop3A_255 = vector.broadcast %parallel_loop3A_254 : f32 to vector<16xf32>
      %parallel_loop3A_256 = arith.mulf %parallel_loop3A_255, %parallel_loop3A_253 : vector<16xf32>
      %parallel_loop3A_257 = arith.fptosi %parallel_loop3A_256 : vector<16xf32> to vector<16xi32>
      %parallel_loop3A_258 = arith.constant 5.000000e-01 : f32
      %parallel_loop3A_259 = vector.broadcast %parallel_loop3A_258 : f32 to vector<16xf32>
      %parallel_loop3A_260 = arith.cmpf oge, %parallel_loop3A_243, %parallel_loop3A_259 : vector<16xf32>
      %parallel_loop3A_261 = arith.constant 10240 : i32
      %parallel_loop3A_262 = vector.broadcast %parallel_loop3A_261 : i32 to vector<16xi32>
      %parallel_loop3A_263 = arith.addi %parallel_loop3A_257, %parallel_loop3A_262 : vector<16xi32>
      %parallel_loop3A_264 = arith.select %parallel_loop3A_260, %parallel_loop3A_263, %parallel_loop3A_257 : vector<16xi1>, vector<16xi32>
      %parallel_loop3A_265 = vector.broadcast %mul3A_2 : i32 to vector<16xi32>
      %parallel_loop3A_266 = arith.cmpi sge, %parallel_loop3A_237, %parallel_loop3A_265 : vector<16xi32>
      %parallel_loop3A_267 = vector.broadcast %add3A_4 : i32 to vector<16xi32>
      %parallel_loop3A_268 = arith.cmpi slt, %parallel_loop3A_237, %parallel_loop3A_267 : vector<16xi32>
      %parallel_loop3A_269 = arith.andi %parallel_loop3A_266, %parallel_loop3A_268 : vector<16xi1>
      %parallel_loop3A_270 = arith.select %parallel_loop3A_269, %parallel_loop3A_264, %add3A_73 : vector<16xi1>, vector<16xi32>
      %parallel_loop3A_271 = arith.index_cast %parallel_loop3A_230 : i32 to index
      %parallel_loop3A_272 = arith.constant 0 : index
      %parallel_loop3A_273 = tpu.vector_load %arg7[%parallel_loop3A_271, %parallel_loop3A_272] {strides = array<i32>} : memref<25x128xi32, #tpu.memory_space<vmem>>, vector<1x16xi32>,
      %parallel_loop3A_274 = vector.shape_cast %parallel_loop3A_273 : vector<1x16xi32> to vector<16xi32>
      %parallel_loop3A_275 = vector.shape_cast %parallel_loop3A_270 : vector<16xi32> to vector<1x16xi32>
      tpu.vector_store %arg7[%parallel_loop3A_271, %parallel_loop3A_272], %parallel_loop3A_275 {strides = array<i32>} : memref<25x128xi32, #tpu.memory_space<vmem>>, vector<1x16xi32>,
      %parallel_loop3A_276 = arith.constant 128 : i32
      %parallel_loop3A_277 = arith.muli %parallel_loop3A_230, %parallel_loop3A_276 : i32
      %parallel_loop3A_278 = arith.constant 16 : i32
      %parallel_loop3A_279 = arith.addi %parallel_loop3A_277, %parallel_loop3A_278 : i32
      %parallel_loop3A_280 = arith.addi %min3A_23, %parallel_loop3A_279 : i32
      %parallel_loop3A_281 = vector.broadcast %parallel_loop3A_280 : i32 to vector<16xi32>
      %parallel_loop3A_282 = arith.addi %parallel_loop3A_281, %iota3A : vector<16xi32>
      %parallel_loop3A_283 = arith.index_cast %parallel_loop3A_279 : i32 to index
      %parallel_loop3A_284 = tpu.vector_load %arg5[%parallel_loop3A_283] {strides = array<i32>} : memref<3200xf32, #tpu.memory_space<vmem>>, vector<16xf32>,
      %parallel_loop3A_285 = vector.shape_cast %parallel_loop3A_284 : vector<16xf32> to vector<16xf32>
      %parallel_loop3A_286 = arith.index_cast %parallel_loop3A_279 : i32 to index
      %parallel_loop3A_287 = tpu.vector_load %arg6[%parallel_loop3A_286] {strides = array<i32>} : memref<3200xf32, #tpu.memory_space<vmem>>, vector<16xf32>,
      %parallel_loop3A_288 = vector.shape_cast %parallel_loop3A_287 : vector<16xf32> to vector<16xf32>
      %parallel_loop3A_289 = arith.constant 0.000000e+00 : f32
      %parallel_loop3A_290 = vector.broadcast %parallel_loop3A_289 : f32 to vector<16xf32>
      %parallel_loop3A_291 = arith.subf %parallel_loop3A_290, %parallel_loop3A_285 : vector<16xf32>
      %parallel_loop3A_292 = math.exp %parallel_loop3A_291 : vector<16xf32>
      %parallel_loop3A_293 = arith.constant 1.000000e+00 : f32
      %parallel_loop3A_294 = vector.broadcast %parallel_loop3A_293 : f32 to vector<16xf32>
      %parallel_loop3A_295 = arith.addf %parallel_loop3A_294, %parallel_loop3A_292 : vector<16xf32>
      %parallel_loop3A_296 = arith.constant 1.000000e+00 : f32
      %parallel_loop3A_297 = vector.broadcast %parallel_loop3A_296 : f32 to vector<16xf32>
      %parallel_loop3A_298 = arith.divf %parallel_loop3A_297, %parallel_loop3A_295 : vector<16xf32>
      %parallel_loop3A_299 = arith.constant 1.000000e+04 : f32
      %parallel_loop3A_300 = vector.broadcast %parallel_loop3A_299 : f32 to vector<16xf32>
      %parallel_loop3A_301 = arith.mulf %parallel_loop3A_300, %parallel_loop3A_298 : vector<16xf32>
      %parallel_loop3A_302 = arith.fptosi %parallel_loop3A_301 : vector<16xf32> to vector<16xi32>
      %parallel_loop3A_303 = arith.constant 5.000000e-01 : f32
      %parallel_loop3A_304 = vector.broadcast %parallel_loop3A_303 : f32 to vector<16xf32>
      %parallel_loop3A_305 = arith.cmpf oge, %parallel_loop3A_288, %parallel_loop3A_304 : vector<16xf32>
      %parallel_loop3A_306 = arith.constant 10240 : i32
      %parallel_loop3A_307 = vector.broadcast %parallel_loop3A_306 : i32 to vector<16xi32>
      %parallel_loop3A_308 = arith.addi %parallel_loop3A_302, %parallel_loop3A_307 : vector<16xi32>
      %parallel_loop3A_309 = arith.select %parallel_loop3A_305, %parallel_loop3A_308, %parallel_loop3A_302 : vector<16xi1>, vector<16xi32>
      %parallel_loop3A_310 = vector.broadcast %mul3A_2 : i32 to vector<16xi32>
      %parallel_loop3A_311 = arith.cmpi sge, %parallel_loop3A_282, %parallel_loop3A_310 : vector<16xi32>
      %parallel_loop3A_312 = vector.broadcast %add3A_4 : i32 to vector<16xi32>
      %parallel_loop3A_313 = arith.cmpi slt, %parallel_loop3A_282, %parallel_loop3A_312 : vector<16xi32>
      %parallel_loop3A_314 = arith.andi %parallel_loop3A_311, %parallel_loop3A_313 : vector<16xi1>
      %parallel_loop3A_315 = arith.select %parallel_loop3A_314, %parallel_loop3A_309, %add3A_73 : vector<16xi1>, vector<16xi32>
      %parallel_loop3A_316 = arith.index_cast %parallel_loop3A_230 : i32 to index
      %parallel_loop3A_317 = arith.constant 16 : index
      %parallel_loop3A_318 = tpu.vector_load %arg7[%parallel_loop3A_316, %parallel_loop3A_317] {strides = array<i32>} : memref<25x128xi32, #tpu.memory_space<vmem>>, vector<1x16xi32>,
      %parallel_loop3A_319 = vector.shape_cast %parallel_loop3A_318 : vector<1x16xi32> to vector<16xi32>
      %parallel_loop3A_320 = vector.shape_cast %parallel_loop3A_315 : vector<16xi32> to vector<1x16xi32>
      tpu.vector_store %arg7[%parallel_loop3A_316, %parallel_loop3A_317], %parallel_loop3A_320 {strides = array<i32>} : memref<25x128xi32, #tpu.memory_space<vmem>>, vector<1x16xi32>,
      %parallel_loop3A_321 = arith.constant 128 : i32
      %parallel_loop3A_322 = arith.muli %parallel_loop3A_230, %parallel_loop3A_321 : i32
      %parallel_loop3A_323 = arith.constant 32 : i32
      %parallel_loop3A_324 = arith.addi %parallel_loop3A_322, %parallel_loop3A_323 : i32
      %parallel_loop3A_325 = arith.addi %min3A_23, %parallel_loop3A_324 : i32
      %parallel_loop3A_326 = vector.broadcast %parallel_loop3A_325 : i32 to vector<16xi32>
      %parallel_loop3A_327 = arith.addi %parallel_loop3A_326, %iota3A : vector<16xi32>
      %parallel_loop3A_328 = arith.index_cast %parallel_loop3A_324 : i32 to index
      %parallel_loop3A_329 = tpu.vector_load %arg5[%parallel_loop3A_328] {strides = array<i32>} : memref<3200xf32, #tpu.memory_space<vmem>>, vector<16xf32>,
      %parallel_loop3A_330 = vector.shape_cast %parallel_loop3A_329 : vector<16xf32> to vector<16xf32>
      %parallel_loop3A_331 = arith.index_cast %parallel_loop3A_324 : i32 to index
      %parallel_loop3A_332 = tpu.vector_load %arg6[%parallel_loop3A_331] {strides = array<i32>} : memref<3200xf32, #tpu.memory_space<vmem>>, vector<16xf32>,
      %parallel_loop3A_333 = vector.shape_cast %parallel_loop3A_332 : vector<16xf32> to vector<16xf32>
      %parallel_loop3A_334 = arith.constant 0.000000e+00 : f32
      %parallel_loop3A_335 = vector.broadcast %parallel_loop3A_334 : f32 to vector<16xf32>
      %parallel_loop3A_336 = arith.subf %parallel_loop3A_335, %parallel_loop3A_330 : vector<16xf32>
      %parallel_loop3A_337 = math.exp %parallel_loop3A_336 : vector<16xf32>
      %parallel_loop3A_338 = arith.constant 1.000000e+00 : f32
      %parallel_loop3A_339 = vector.broadcast %parallel_loop3A_338 : f32 to vector<16xf32>
      %parallel_loop3A_340 = arith.addf %parallel_loop3A_339, %parallel_loop3A_337 : vector<16xf32>
      %parallel_loop3A_341 = arith.constant 1.000000e+00 : f32
      %parallel_loop3A_342 = vector.broadcast %parallel_loop3A_341 : f32 to vector<16xf32>
      %parallel_loop3A_343 = arith.divf %parallel_loop3A_342, %parallel_loop3A_340 : vector<16xf32>
      %parallel_loop3A_344 = arith.constant 1.000000e+04 : f32
      %parallel_loop3A_345 = vector.broadcast %parallel_loop3A_344 : f32 to vector<16xf32>
      %parallel_loop3A_346 = arith.mulf %parallel_loop3A_345, %parallel_loop3A_343 : vector<16xf32>
      %parallel_loop3A_347 = arith.fptosi %parallel_loop3A_346 : vector<16xf32> to vector<16xi32>
      %parallel_loop3A_348 = arith.constant 5.000000e-01 : f32
      %parallel_loop3A_349 = vector.broadcast %parallel_loop3A_348 : f32 to vector<16xf32>
      %parallel_loop3A_350 = arith.cmpf oge, %parallel_loop3A_333, %parallel_loop3A_349 : vector<16xf32>
      %parallel_loop3A_351 = arith.constant 10240 : i32
      %parallel_loop3A_352 = vector.broadcast %parallel_loop3A_351 : i32 to vector<16xi32>
      %parallel_loop3A_353 = arith.addi %parallel_loop3A_347, %parallel_loop3A_352 : vector<16xi32>
      %parallel_loop3A_354 = arith.select %parallel_loop3A_350, %parallel_loop3A_353, %parallel_loop3A_347 : vector<16xi1>, vector<16xi32>
      %parallel_loop3A_355 = vector.broadcast %mul3A_2 : i32 to vector<16xi32>
      %parallel_loop3A_356 = arith.cmpi sge, %parallel_loop3A_327, %parallel_loop3A_355 : vector<16xi32>
      %parallel_loop3A_357 = vector.broadcast %add3A_4 : i32 to vector<16xi32>
      %parallel_loop3A_358 = arith.cmpi slt, %parallel_loop3A_327, %parallel_loop3A_357 : vector<16xi32>
      %parallel_loop3A_359 = arith.andi %parallel_loop3A_356, %parallel_loop3A_358 : vector<16xi1>
      %parallel_loop3A_360 = arith.select %parallel_loop3A_359, %parallel_loop3A_354, %add3A_73 : vector<16xi1>, vector<16xi32>
      %parallel_loop3A_361 = arith.index_cast %parallel_loop3A_230 : i32 to index
      %parallel_loop3A_362 = arith.constant 32 : index
      %parallel_loop3A_363 = tpu.vector_load %arg7[%parallel_loop3A_361, %parallel_loop3A_362] {strides = array<i32>} : memref<25x128xi32, #tpu.memory_space<vmem>>, vector<1x16xi32>,
      %parallel_loop3A_364 = vector.shape_cast %parallel_loop3A_363 : vector<1x16xi32> to vector<16xi32>
      %parallel_loop3A_365 = vector.shape_cast %parallel_loop3A_360 : vector<16xi32> to vector<1x16xi32>
      tpu.vector_store %arg7[%parallel_loop3A_361, %parallel_loop3A_362], %parallel_loop3A_365 {strides = array<i32>} : memref<25x128xi32, #tpu.memory_space<vmem>>, vector<1x16xi32>,
      %parallel_loop3A_366 = arith.constant 128 : i32
      %parallel_loop3A_367 = arith.muli %parallel_loop3A_230, %parallel_loop3A_366 : i32
      %parallel_loop3A_368 = arith.constant 48 : i32
      %parallel_loop3A_369 = arith.addi %parallel_loop3A_367, %parallel_loop3A_368 : i32
      %parallel_loop3A_370 = arith.addi %min3A_23, %parallel_loop3A_369 : i32
      %parallel_loop3A_371 = vector.broadcast %parallel_loop3A_370 : i32 to vector<16xi32>
      %parallel_loop3A_372 = arith.addi %parallel_loop3A_371, %iota3A : vector<16xi32>
      %parallel_loop3A_373 = arith.index_cast %parallel_loop3A_369 : i32 to index
      %parallel_loop3A_374 = tpu.vector_load %arg5[%parallel_loop3A_373] {strides = array<i32>} : memref<3200xf32, #tpu.memory_space<vmem>>, vector<16xf32>,
      %parallel_loop3A_375 = vector.shape_cast %parallel_loop3A_374 : vector<16xf32> to vector<16xf32>
      %parallel_loop3A_376 = arith.index_cast %parallel_loop3A_369 : i32 to index
      %parallel_loop3A_377 = tpu.vector_load %arg6[%parallel_loop3A_376] {strides = array<i32>} : memref<3200xf32, #tpu.memory_space<vmem>>, vector<16xf32>,
      %parallel_loop3A_378 = vector.shape_cast %parallel_loop3A_377 : vector<16xf32> to vector<16xf32>
      %parallel_loop3A_379 = arith.constant 0.000000e+00 : f32
      %parallel_loop3A_380 = vector.broadcast %parallel_loop3A_379 : f32 to vector<16xf32>
      %parallel_loop3A_381 = arith.subf %parallel_loop3A_380, %parallel_loop3A_375 : vector<16xf32>
      %parallel_loop3A_382 = math.exp %parallel_loop3A_381 : vector<16xf32>
      %parallel_loop3A_383 = arith.constant 1.000000e+00 : f32
      %parallel_loop3A_384 = vector.broadcast %parallel_loop3A_383 : f32 to vector<16xf32>
      %parallel_loop3A_385 = arith.addf %parallel_loop3A_384, %parallel_loop3A_382 : vector<16xf32>
      %parallel_loop3A_386 = arith.constant 1.000000e+00 : f32
      %parallel_loop3A_387 = vector.broadcast %parallel_loop3A_386 : f32 to vector<16xf32>
      %parallel_loop3A_388 = arith.divf %parallel_loop3A_387, %parallel_loop3A_385 : vector<16xf32>
      %parallel_loop3A_389 = arith.constant 1.000000e+04 : f32
      %parallel_loop3A_390 = vector.broadcast %parallel_loop3A_389 : f32 to vector<16xf32>
      %parallel_loop3A_391 = arith.mulf %parallel_loop3A_390, %parallel_loop3A_388 : vector<16xf32>
      %parallel_loop3A_392 = arith.fptosi %parallel_loop3A_391 : vector<16xf32> to vector<16xi32>
      %parallel_loop3A_393 = arith.constant 5.000000e-01 : f32
      %parallel_loop3A_394 = vector.broadcast %parallel_loop3A_393 : f32 to vector<16xf32>
      %parallel_loop3A_395 = arith.cmpf oge, %parallel_loop3A_378, %parallel_loop3A_394 : vector<16xf32>
      %parallel_loop3A_396 = arith.constant 10240 : i32
      %parallel_loop3A_397 = vector.broadcast %parallel_loop3A_396 : i32 to vector<16xi32>
      %parallel_loop3A_398 = arith.addi %parallel_loop3A_392, %parallel_loop3A_397 : vector<16xi32>
      %parallel_loop3A_399 = arith.select %parallel_loop3A_395, %parallel_loop3A_398, %parallel_loop3A_392 : vector<16xi1>, vector<16xi32>
      %parallel_loop3A_400 = vector.broadcast %mul3A_2 : i32 to vector<16xi32>
      %parallel_loop3A_401 = arith.cmpi sge, %parallel_loop3A_372, %parallel_loop3A_400 : vector<16xi32>
      %parallel_loop3A_402 = vector.broadcast %add3A_4 : i32 to vector<16xi32>
      %parallel_loop3A_403 = arith.cmpi slt, %parallel_loop3A_372, %parallel_loop3A_402 : vector<16xi32>
      %parallel_loop3A_404 = arith.andi %parallel_loop3A_401, %parallel_loop3A_403 : vector<16xi1>
      %parallel_loop3A_405 = arith.select %parallel_loop3A_404, %parallel_loop3A_399, %add3A_73 : vector<16xi1>, vector<16xi32>
      %parallel_loop3A_406 = arith.index_cast %parallel_loop3A_230 : i32 to index
      %parallel_loop3A_407 = arith.constant 48 : index
      %parallel_loop3A_408 = tpu.vector_load %arg7[%parallel_loop3A_406, %parallel_loop3A_407] {strides = array<i32>} : memref<25x128xi32, #tpu.memory_space<vmem>>, vector<1x16xi32>,
      %parallel_loop3A_409 = vector.shape_cast %parallel_loop3A_408 : vector<1x16xi32> to vector<16xi32>
      %parallel_loop3A_410 = vector.shape_cast %parallel_loop3A_405 : vector<16xi32> to vector<1x16xi32>
      tpu.vector_store %arg7[%parallel_loop3A_406, %parallel_loop3A_407], %parallel_loop3A_410 {strides = array<i32>} : memref<25x128xi32, #tpu.memory_space<vmem>>, vector<1x16xi32>,
      %parallel_loop3A_411 = arith.constant 128 : i32
      %parallel_loop3A_412 = arith.muli %parallel_loop3A_230, %parallel_loop3A_411 : i32
      %parallel_loop3A_413 = arith.constant 64 : i32
      %parallel_loop3A_414 = arith.addi %parallel_loop3A_412, %parallel_loop3A_413 : i32
      %parallel_loop3A_415 = arith.addi %min3A_23, %parallel_loop3A_414 : i32
      %parallel_loop3A_416 = vector.broadcast %parallel_loop3A_415 : i32 to vector<16xi32>
      %parallel_loop3A_417 = arith.addi %parallel_loop3A_416, %iota3A : vector<16xi32>
      %parallel_loop3A_418 = arith.index_cast %parallel_loop3A_414 : i32 to index
      %parallel_loop3A_419 = tpu.vector_load %arg5[%parallel_loop3A_418] {strides = array<i32>} : memref<3200xf32, #tpu.memory_space<vmem>>, vector<16xf32>,
      %parallel_loop3A_420 = vector.shape_cast %parallel_loop3A_419 : vector<16xf32> to vector<16xf32>
      %parallel_loop3A_421 = arith.index_cast %parallel_loop3A_414 : i32 to index
      %parallel_loop3A_422 = tpu.vector_load %arg6[%parallel_loop3A_421] {strides = array<i32>} : memref<3200xf32, #tpu.memory_space<vmem>>, vector<16xf32>,
      %parallel_loop3A_423 = vector.shape_cast %parallel_loop3A_422 : vector<16xf32> to vector<16xf32>
      %parallel_loop3A_424 = arith.constant 0.000000e+00 : f32
      %parallel_loop3A_425 = vector.broadcast %parallel_loop3A_424 : f32 to vector<16xf32>
      %parallel_loop3A_426 = arith.subf %parallel_loop3A_425, %parallel_loop3A_420 : vector<16xf32>
      %parallel_loop3A_427 = math.exp %parallel_loop3A_426 : vector<16xf32>
      %parallel_loop3A_428 = arith.constant 1.000000e+00 : f32
      %parallel_loop3A_429 = vector.broadcast %parallel_loop3A_428 : f32 to vector<16xf32>
      %parallel_loop3A_430 = arith.addf %parallel_loop3A_429, %parallel_loop3A_427 : vector<16xf32>
      %parallel_loop3A_431 = arith.constant 1.000000e+00 : f32
      %parallel_loop3A_432 = vector.broadcast %parallel_loop3A_431 : f32 to vector<16xf32>
      %parallel_loop3A_433 = arith.divf %parallel_loop3A_432, %parallel_loop3A_430 : vector<16xf32>
      %parallel_loop3A_434 = arith.constant 1.000000e+04 : f32
      %parallel_loop3A_435 = vector.broadcast %parallel_loop3A_434 : f32 to vector<16xf32>
      %parallel_loop3A_436 = arith.mulf %parallel_loop3A_435, %parallel_loop3A_433 : vector<16xf32>
      %parallel_loop3A_437 = arith.fptosi %parallel_loop3A_436 : vector<16xf32> to vector<16xi32>
      %parallel_loop3A_438 = arith.constant 5.000000e-01 : f32
      %parallel_loop3A_439 = vector.broadcast %parallel_loop3A_438 : f32 to vector<16xf32>
      %parallel_loop3A_440 = arith.cmpf oge, %parallel_loop3A_423, %parallel_loop3A_439 : vector<16xf32>
      %parallel_loop3A_441 = arith.constant 10240 : i32
      %parallel_loop3A_442 = vector.broadcast %parallel_loop3A_441 : i32 to vector<16xi32>
      %parallel_loop3A_443 = arith.addi %parallel_loop3A_437, %parallel_loop3A_442 : vector<16xi32>
      %parallel_loop3A_444 = arith.select %parallel_loop3A_440, %parallel_loop3A_443, %parallel_loop3A_437 : vector<16xi1>, vector<16xi32>
      %parallel_loop3A_445 = vector.broadcast %mul3A_2 : i32 to vector<16xi32>
      %parallel_loop3A_446 = arith.cmpi sge, %parallel_loop3A_417, %parallel_loop3A_445 : vector<16xi32>
      %parallel_loop3A_447 = vector.broadcast %add3A_4 : i32 to vector<16xi32>
      %parallel_loop3A_448 = arith.cmpi slt, %parallel_loop3A_417, %parallel_loop3A_447 : vector<16xi32>
      %parallel_loop3A_449 = arith.andi %parallel_loop3A_446, %parallel_loop3A_448 : vector<16xi1>
      %parallel_loop3A_450 = arith.select %parallel_loop3A_449, %parallel_loop3A_444, %add3A_73 : vector<16xi1>, vector<16xi32>
      %parallel_loop3A_451 = arith.index_cast %parallel_loop3A_230 : i32 to index
      %parallel_loop3A_452 = arith.constant 64 : index
      %parallel_loop3A_453 = tpu.vector_load %arg7[%parallel_loop3A_451, %parallel_loop3A_452] {strides = array<i32>} : memref<25x128xi32, #tpu.memory_space<vmem>>, vector<1x16xi32>,
      %parallel_loop3A_454 = vector.shape_cast %parallel_loop3A_453 : vector<1x16xi32> to vector<16xi32>
      %parallel_loop3A_455 = vector.shape_cast %parallel_loop3A_450 : vector<16xi32> to vector<1x16xi32>
      tpu.vector_store %arg7[%parallel_loop3A_451, %parallel_loop3A_452], %parallel_loop3A_455 {strides = array<i32>} : memref<25x128xi32, #tpu.memory_space<vmem>>, vector<1x16xi32>,
      %parallel_loop3A_456 = arith.constant 128 : i32
      %parallel_loop3A_457 = arith.muli %parallel_loop3A_230, %parallel_loop3A_456 : i32
      %parallel_loop3A_458 = arith.constant 80 : i32
      %parallel_loop3A_459 = arith.addi %parallel_loop3A_457, %parallel_loop3A_458 : i32
      %parallel_loop3A_460 = arith.addi %min3A_23, %parallel_loop3A_459 : i32
      %parallel_loop3A_461 = vector.broadcast %parallel_loop3A_460 : i32 to vector<16xi32>
      %parallel_loop3A_462 = arith.addi %parallel_loop3A_461, %iota3A : vector<16xi32>
      %parallel_loop3A_463 = arith.index_cast %parallel_loop3A_459 : i32 to index
      %parallel_loop3A_464 = tpu.vector_load %arg5[%parallel_loop3A_463] {strides = array<i32>} : memref<3200xf32, #tpu.memory_space<vmem>>, vector<16xf32>,
      %parallel_loop3A_465 = vector.shape_cast %parallel_loop3A_464 : vector<16xf32> to vector<16xf32>
      %parallel_loop3A_466 = arith.index_cast %parallel_loop3A_459 : i32 to index
      %parallel_loop3A_467 = tpu.vector_load %arg6[%parallel_loop3A_466] {strides = array<i32>} : memref<3200xf32, #tpu.memory_space<vmem>>, vector<16xf32>,
      %parallel_loop3A_468 = vector.shape_cast %parallel_loop3A_467 : vector<16xf32> to vector<16xf32>
      %parallel_loop3A_469 = arith.constant 0.000000e+00 : f32
      %parallel_loop3A_470 = vector.broadcast %parallel_loop3A_469 : f32 to vector<16xf32>
      %parallel_loop3A_471 = arith.subf %parallel_loop3A_470, %parallel_loop3A_465 : vector<16xf32>
      %parallel_loop3A_472 = math.exp %parallel_loop3A_471 : vector<16xf32>
      %parallel_loop3A_473 = arith.constant 1.000000e+00 : f32
      %parallel_loop3A_474 = vector.broadcast %parallel_loop3A_473 : f32 to vector<16xf32>
      %parallel_loop3A_475 = arith.addf %parallel_loop3A_474, %parallel_loop3A_472 : vector<16xf32>
      %parallel_loop3A_476 = arith.constant 1.000000e+00 : f32
      %parallel_loop3A_477 = vector.broadcast %parallel_loop3A_476 : f32 to vector<16xf32>
      %parallel_loop3A_478 = arith.divf %parallel_loop3A_477, %parallel_loop3A_475 : vector<16xf32>
      %parallel_loop3A_479 = arith.constant 1.000000e+04 : f32
      %parallel_loop3A_480 = vector.broadcast %parallel_loop3A_479 : f32 to vector<16xf32>
      %parallel_loop3A_481 = arith.mulf %parallel_loop3A_480, %parallel_loop3A_478 : vector<16xf32>
      %parallel_loop3A_482 = arith.fptosi %parallel_loop3A_481 : vector<16xf32> to vector<16xi32>
      %parallel_loop3A_483 = arith.constant 5.000000e-01 : f32
      %parallel_loop3A_484 = vector.broadcast %parallel_loop3A_483 : f32 to vector<16xf32>
      %parallel_loop3A_485 = arith.cmpf oge, %parallel_loop3A_468, %parallel_loop3A_484 : vector<16xf32>
      %parallel_loop3A_486 = arith.constant 10240 : i32
      %parallel_loop3A_487 = vector.broadcast %parallel_loop3A_486 : i32 to vector<16xi32>
      %parallel_loop3A_488 = arith.addi %parallel_loop3A_482, %parallel_loop3A_487 : vector<16xi32>
      %parallel_loop3A_489 = arith.select %parallel_loop3A_485, %parallel_loop3A_488, %parallel_loop3A_482 : vector<16xi1>, vector<16xi32>
      %parallel_loop3A_490 = vector.broadcast %mul3A_2 : i32 to vector<16xi32>
      %parallel_loop3A_491 = arith.cmpi sge, %parallel_loop3A_462, %parallel_loop3A_490 : vector<16xi32>
      %parallel_loop3A_492 = vector.broadcast %add3A_4 : i32 to vector<16xi32>
      %parallel_loop3A_493 = arith.cmpi slt, %parallel_loop3A_462, %parallel_loop3A_492 : vector<16xi32>
      %parallel_loop3A_494 = arith.andi %parallel_loop3A_491, %parallel_loop3A_493 : vector<16xi1>
      %parallel_loop3A_495 = arith.select %parallel_loop3A_494, %parallel_loop3A_489, %add3A_73 : vector<16xi1>, vector<16xi32>
      %parallel_loop3A_496 = arith.index_cast %parallel_loop3A_230 : i32 to index
      %parallel_loop3A_497 = arith.constant 80 : index
      %parallel_loop3A_498 = tpu.vector_load %arg7[%parallel_loop3A_496, %parallel_loop3A_497] {strides = array<i32>} : memref<25x128xi32, #tpu.memory_space<vmem>>, vector<1x16xi32>,
      %parallel_loop3A_499 = vector.shape_cast %parallel_loop3A_498 : vector<1x16xi32> to vector<16xi32>
      %parallel_loop3A_500 = vector.shape_cast %parallel_loop3A_495 : vector<16xi32> to vector<1x16xi32>
      tpu.vector_store %arg7[%parallel_loop3A_496, %parallel_loop3A_497], %parallel_loop3A_500 {strides = array<i32>} : memref<25x128xi32, #tpu.memory_space<vmem>>, vector<1x16xi32>,
      %parallel_loop3A_501 = arith.constant 128 : i32
      %parallel_loop3A_502 = arith.muli %parallel_loop3A_230, %parallel_loop3A_501 : i32
      %parallel_loop3A_503 = arith.constant 96 : i32
      %parallel_loop3A_504 = arith.addi %parallel_loop3A_502, %parallel_loop3A_503 : i32
      %parallel_loop3A_505 = arith.addi %min3A_23, %parallel_loop3A_504 : i32
      %parallel_loop3A_506 = vector.broadcast %parallel_loop3A_505 : i32 to vector<16xi32>
      %parallel_loop3A_507 = arith.addi %parallel_loop3A_506, %iota3A : vector<16xi32>
      %parallel_loop3A_508 = arith.index_cast %parallel_loop3A_504 : i32 to index
      %parallel_loop3A_509 = tpu.vector_load %arg5[%parallel_loop3A_508] {strides = array<i32>} : memref<3200xf32, #tpu.memory_space<vmem>>, vector<16xf32>,
      %parallel_loop3A_510 = vector.shape_cast %parallel_loop3A_509 : vector<16xf32> to vector<16xf32>
      %parallel_loop3A_511 = arith.index_cast %parallel_loop3A_504 : i32 to index
      %parallel_loop3A_512 = tpu.vector_load %arg6[%parallel_loop3A_511] {strides = array<i32>} : memref<3200xf32, #tpu.memory_space<vmem>>, vector<16xf32>,
      %parallel_loop3A_513 = vector.shape_cast %parallel_loop3A_512 : vector<16xf32> to vector<16xf32>
      %parallel_loop3A_514 = arith.constant 0.000000e+00 : f32
      %parallel_loop3A_515 = vector.broadcast %parallel_loop3A_514 : f32 to vector<16xf32>
      %parallel_loop3A_516 = arith.subf %parallel_loop3A_515, %parallel_loop3A_510 : vector<16xf32>
      %parallel_loop3A_517 = math.exp %parallel_loop3A_516 : vector<16xf32>
      %parallel_loop3A_518 = arith.constant 1.000000e+00 : f32
      %parallel_loop3A_519 = vector.broadcast %parallel_loop3A_518 : f32 to vector<16xf32>
      %parallel_loop3A_520 = arith.addf %parallel_loop3A_519, %parallel_loop3A_517 : vector<16xf32>
      %parallel_loop3A_521 = arith.constant 1.000000e+00 : f32
      %parallel_loop3A_522 = vector.broadcast %parallel_loop3A_521 : f32 to vector<16xf32>
      %parallel_loop3A_523 = arith.divf %parallel_loop3A_522, %parallel_loop3A_520 : vector<16xf32>
      %parallel_loop3A_524 = arith.constant 1.000000e+04 : f32
      %parallel_loop3A_525 = vector.broadcast %parallel_loop3A_524 : f32 to vector<16xf32>
      %parallel_loop3A_526 = arith.mulf %parallel_loop3A_525, %parallel_loop3A_523 : vector<16xf32>
      %parallel_loop3A_527 = arith.fptosi %parallel_loop3A_526 : vector<16xf32> to vector<16xi32>
      %parallel_loop3A_528 = arith.constant 5.000000e-01 : f32
      %parallel_loop3A_529 = vector.broadcast %parallel_loop3A_528 : f32 to vector<16xf32>
      %parallel_loop3A_530 = arith.cmpf oge, %parallel_loop3A_513, %parallel_loop3A_529 : vector<16xf32>
      %parallel_loop3A_531 = arith.constant 10240 : i32
      %parallel_loop3A_532 = vector.broadcast %parallel_loop3A_531 : i32 to vector<16xi32>
      %parallel_loop3A_533 = arith.addi %parallel_loop3A_527, %parallel_loop3A_532 : vector<16xi32>
      %parallel_loop3A_534 = arith.select %parallel_loop3A_530, %parallel_loop3A_533, %parallel_loop3A_527 : vector<16xi1>, vector<16xi32>
      %parallel_loop3A_535 = vector.broadcast %mul3A_2 : i32 to vector<16xi32>
      %parallel_loop3A_536 = arith.cmpi sge, %parallel_loop3A_507, %parallel_loop3A_535 : vector<16xi32>
      %parallel_loop3A_537 = vector.broadcast %add3A_4 : i32 to vector<16xi32>
      %parallel_loop3A_538 = arith.cmpi slt, %parallel_loop3A_507, %parallel_loop3A_537 : vector<16xi32>
      %parallel_loop3A_539 = arith.andi %parallel_loop3A_536, %parallel_loop3A_538 : vector<16xi1>
      %parallel_loop3A_540 = arith.select %parallel_loop3A_539, %parallel_loop3A_534, %add3A_73 : vector<16xi1>, vector<16xi32>
      %parallel_loop3A_541 = arith.index_cast %parallel_loop3A_230 : i32 to index
      %parallel_loop3A_542 = arith.constant 96 : index
      %parallel_loop3A_543 = tpu.vector_load %arg7[%parallel_loop3A_541, %parallel_loop3A_542] {strides = array<i32>} : memref<25x128xi32, #tpu.memory_space<vmem>>, vector<1x16xi32>,
      %parallel_loop3A_544 = vector.shape_cast %parallel_loop3A_543 : vector<1x16xi32> to vector<16xi32>
      %parallel_loop3A_545 = vector.shape_cast %parallel_loop3A_540 : vector<16xi32> to vector<1x16xi32>
      tpu.vector_store %arg7[%parallel_loop3A_541, %parallel_loop3A_542], %parallel_loop3A_545 {strides = array<i32>} : memref<25x128xi32, #tpu.memory_space<vmem>>, vector<1x16xi32>,
      %parallel_loop3A_546 = arith.constant 128 : i32
      %parallel_loop3A_547 = arith.muli %parallel_loop3A_230, %parallel_loop3A_546 : i32
      %parallel_loop3A_548 = arith.constant 112 : i32
      %parallel_loop3A_549 = arith.addi %parallel_loop3A_547, %parallel_loop3A_548 : i32
      %parallel_loop3A_550 = arith.addi %min3A_23, %parallel_loop3A_549 : i32
      %parallel_loop3A_551 = vector.broadcast %parallel_loop3A_550 : i32 to vector<16xi32>
      %parallel_loop3A_552 = arith.addi %parallel_loop3A_551, %iota3A : vector<16xi32>
      %parallel_loop3A_553 = arith.index_cast %parallel_loop3A_549 : i32 to index
      %parallel_loop3A_554 = tpu.vector_load %arg5[%parallel_loop3A_553] {strides = array<i32>} : memref<3200xf32, #tpu.memory_space<vmem>>, vector<16xf32>,
      %parallel_loop3A_555 = vector.shape_cast %parallel_loop3A_554 : vector<16xf32> to vector<16xf32>
      %parallel_loop3A_556 = arith.index_cast %parallel_loop3A_549 : i32 to index
      %parallel_loop3A_557 = tpu.vector_load %arg6[%parallel_loop3A_556] {strides = array<i32>} : memref<3200xf32, #tpu.memory_space<vmem>>, vector<16xf32>,
      %parallel_loop3A_558 = vector.shape_cast %parallel_loop3A_557 : vector<16xf32> to vector<16xf32>
      %parallel_loop3A_559 = arith.constant 0.000000e+00 : f32
      %parallel_loop3A_560 = vector.broadcast %parallel_loop3A_559 : f32 to vector<16xf32>
      %parallel_loop3A_561 = arith.subf %parallel_loop3A_560, %parallel_loop3A_555 : vector<16xf32>
      %parallel_loop3A_562 = math.exp %parallel_loop3A_561 : vector<16xf32>
      %parallel_loop3A_563 = arith.constant 1.000000e+00 : f32
      %parallel_loop3A_564 = vector.broadcast %parallel_loop3A_563 : f32 to vector<16xf32>
      %parallel_loop3A_565 = arith.addf %parallel_loop3A_564, %parallel_loop3A_562 : vector<16xf32>
      %parallel_loop3A_566 = arith.constant 1.000000e+00 : f32
      %parallel_loop3A_567 = vector.broadcast %parallel_loop3A_566 : f32 to vector<16xf32>
      %parallel_loop3A_568 = arith.divf %parallel_loop3A_567, %parallel_loop3A_565 : vector<16xf32>
      %parallel_loop3A_569 = arith.constant 1.000000e+04 : f32
      %parallel_loop3A_570 = vector.broadcast %parallel_loop3A_569 : f32 to vector<16xf32>
      %parallel_loop3A_571 = arith.mulf %parallel_loop3A_570, %parallel_loop3A_568 : vector<16xf32>
      %parallel_loop3A_572 = arith.fptosi %parallel_loop3A_571 : vector<16xf32> to vector<16xi32>
      %parallel_loop3A_573 = arith.constant 5.000000e-01 : f32
      %parallel_loop3A_574 = vector.broadcast %parallel_loop3A_573 : f32 to vector<16xf32>
      %parallel_loop3A_575 = arith.cmpf oge, %parallel_loop3A_558, %parallel_loop3A_574 : vector<16xf32>
      %parallel_loop3A_576 = arith.constant 10240 : i32
      %parallel_loop3A_577 = vector.broadcast %parallel_loop3A_576 : i32 to vector<16xi32>
      %parallel_loop3A_578 = arith.addi %parallel_loop3A_572, %parallel_loop3A_577 : vector<16xi32>
      %parallel_loop3A_579 = arith.select %parallel_loop3A_575, %parallel_loop3A_578, %parallel_loop3A_572 : vector<16xi1>, vector<16xi32>
      %parallel_loop3A_580 = vector.broadcast %mul3A_2 : i32 to vector<16xi32>
      %parallel_loop3A_581 = arith.cmpi sge, %parallel_loop3A_552, %parallel_loop3A_580 : vector<16xi32>
      %parallel_loop3A_582 = vector.broadcast %add3A_4 : i32 to vector<16xi32>
      %parallel_loop3A_583 = arith.cmpi slt, %parallel_loop3A_552, %parallel_loop3A_582 : vector<16xi32>
      %parallel_loop3A_584 = arith.andi %parallel_loop3A_581, %parallel_loop3A_583 : vector<16xi1>
      %parallel_loop3A_585 = arith.select %parallel_loop3A_584, %parallel_loop3A_579, %add3A_73 : vector<16xi1>, vector<16xi32>
      %parallel_loop3A_586 = arith.index_cast %parallel_loop3A_230 : i32 to index
      %parallel_loop3A_587 = arith.constant 112 : index
      %parallel_loop3A_588 = tpu.vector_load %arg7[%parallel_loop3A_586, %parallel_loop3A_587] {strides = array<i32>} : memref<25x128xi32, #tpu.memory_space<vmem>>, vector<1x16xi32>,
      %parallel_loop3A_589 = vector.shape_cast %parallel_loop3A_588 : vector<1x16xi32> to vector<16xi32>
      %parallel_loop3A_590 = vector.shape_cast %parallel_loop3A_585 : vector<16xi32> to vector<1x16xi32>
      tpu.vector_store %arg7[%parallel_loop3A_586, %parallel_loop3A_587], %parallel_loop3A_590 {strides = array<i32>} : memref<25x128xi32, #tpu.memory_space<vmem>>, vector<1x16xi32>,
      %parallel_loop3A_591 = arith.constant 0 : i32
      %parallel_loop3A_592 = tpu.memref_slice %arg7[%parallel_loop3A_230, %parallel_loop3A_591] : memref<25x128xi32, #tpu.memory_space<vmem>> -> memref<1x128xi32, #tpu.memory_space<vmem>>
      %parallel_loop3A_593 = tpu.memref_squeeze %parallel_loop3A_592 : memref<1x128xi32, #tpu.memory_space<vmem>> -> memref<128xi32, #tpu.memory_space<vmem>>
      %parallel_loop3A_594 = arith.constant 0 : i32
      %parallel_loop3A_595 = tpu.memref_slice %arg10[%parallel_loop3A_594] : memref<20480xf32, #tpu.memory_space<vmem_shared>> -> memref<20480xf32, #tpu.memory_space<vmem_shared>>
      tpu.enqueue_indirect_dma source(%arg8 : memref<128xf32, #tpu.memory_space<vmem>>) target(%parallel_loop3A_595 : memref<20480xf32, #tpu.memory_space<vmem_shared>>) offsets(%parallel_loop3A_593 : memref<128xi32, #tpu.memory_space<vmem>>) semaphore(%arg11 : memref<!tpu.dma_semaphore, #tpu.memory_space<semaphore_mem>>) {add = true}
    } {sc.loop_unroll_factor = 1 : i64, sc.parallel_access}
    %dma_wait3A_77 = arith.constant 0 : i32
    %dma_wait3A_78 = arith.constant 0 : i32
    %dma_wait3A_79 = tpu.memref_slice %arg7[%dma_wait3A_77, %dma_wait3A_78] : memref<25x128xi32, #tpu.memory_space<vmem>> -> memref<1x128xi32, #tpu.memory_space<vmem>>
    %dma_wait3A_80 = tpu.memref_squeeze %dma_wait3A_79 : memref<1x128xi32, #tpu.memory_space<vmem>> -> memref<128xi32, #tpu.memory_space<vmem>>
    %dma_wait3A_81 = arith.constant 0 : i32
    %dma_wait3A_82 = tpu.memref_slice %arg10[%dma_wait3A_81] : memref<20480xf32, #tpu.memory_space<vmem_shared>> -> memref<20480xf32, #tpu.memory_space<vmem_shared>>
    tpu.wait_indirect_dma semaphore(%arg11 : memref<!tpu.dma_semaphore, #tpu.memory_space<semaphore_mem>>) src(%arg8 : memref<128xf32, #tpu.memory_space<vmem>>) dst(%dma_wait3A_82 : memref<20480xf32, #tpu.memory_space<vmem_shared>>)
    %dma_wait3A_83 = arith.constant 0 : i32
    %dma_wait3A_84 = arith.constant 0 : i32
    %dma_wait3A_85 = tpu.memref_slice %arg7[%dma_wait3A_83, %dma_wait3A_84] : memref<25x128xi32, #tpu.memory_space<vmem>> -> memref<1x128xi32, #tpu.memory_space<vmem>>
    %dma_wait3A_86 = tpu.memref_squeeze %dma_wait3A_85 : memref<1x128xi32, #tpu.memory_space<vmem>> -> memref<128xi32, #tpu.memory_space<vmem>>
    %dma_wait3A_87 = arith.constant 0 : i32
    %dma_wait3A_88 = tpu.memref_slice %arg10[%dma_wait3A_87] : memref<20480xf32, #tpu.memory_space<vmem_shared>> -> memref<20480xf32, #tpu.memory_space<vmem_shared>>
    tpu.wait_indirect_dma semaphore(%arg11 : memref<!tpu.dma_semaphore, #tpu.memory_space<semaphore_mem>>) src(%arg8 : memref<128xf32, #tpu.memory_space<vmem>>) dst(%dma_wait3A_88 : memref<20480xf32, #tpu.memory_space<vmem_shared>>)
    %dma_wait3A_89 = arith.constant 0 : i32
    %dma_wait3A_90 = arith.constant 0 : i32
    %dma_wait3A_91 = tpu.memref_slice %arg7[%dma_wait3A_89, %dma_wait3A_90] : memref<25x128xi32, #tpu.memory_space<vmem>> -> memref<1x128xi32, #tpu.memory_space<vmem>>
    %dma_wait3A_92 = tpu.memref_squeeze %dma_wait3A_91 : memref<1x128xi32, #tpu.memory_space<vmem>> -> memref<128xi32, #tpu.memory_space<vmem>>
    %dma_wait3A_93 = arith.constant 0 : i32
    %dma_wait3A_94 = tpu.memref_slice %arg10[%dma_wait3A_93] : memref<20480xf32, #tpu.memory_space<vmem_shared>> -> memref<20480xf32, #tpu.memory_space<vmem_shared>>
    tpu.wait_indirect_dma semaphore(%arg11 : memref<!tpu.dma_semaphore, #tpu.memory_space<semaphore_mem>>) src(%arg8 : memref<128xf32, #tpu.memory_space<vmem>>) dst(%dma_wait3A_94 : memref<20480xf32, #tpu.memory_space<vmem_shared>>)
    %dma_wait3A_95 = arith.constant 0 : i32
    %dma_wait3A_96 = arith.constant 0 : i32
    %dma_wait3A_97 = tpu.memref_slice %arg7[%dma_wait3A_95, %dma_wait3A_96] : memref<25x128xi32, #tpu.memory_space<vmem>> -> memref<1x128xi32, #tpu.memory_space<vmem>>
    %dma_wait3A_98 = tpu.memref_squeeze %dma_wait3A_97 : memref<1x128xi32, #tpu.memory_space<vmem>> -> memref<128xi32, #tpu.memory_space<vmem>>
    %dma_wait3A_99 = arith.constant 0 : i32
    %dma_wait3A_100 = tpu.memref_slice %arg10[%dma_wait3A_99] : memref<20480xf32, #tpu.memory_space<vmem_shared>> -> memref<20480xf32, #tpu.memory_space<vmem_shared>>
    tpu.wait_indirect_dma semaphore(%arg11 : memref<!tpu.dma_semaphore, #tpu.memory_space<semaphore_mem>>) src(%arg8 : memref<128xf32, #tpu.memory_space<vmem>>) dst(%dma_wait3A_100 : memref<20480xf32, #tpu.memory_space<vmem_shared>>)
    %dma_wait3A_101 = arith.constant 0 : i32
    %dma_wait3A_102 = arith.constant 0 : i32
    %dma_wait3A_103 = tpu.memref_slice %arg7[%dma_wait3A_101, %dma_wait3A_102] : memref<25x128xi32, #tpu.memory_space<vmem>> -> memref<1x128xi32, #tpu.memory_space<vmem>>
    %dma_wait3A_104 = tpu.memref_squeeze %dma_wait3A_103 : memref<1x128xi32, #tpu.memory_space<vmem>> -> memref<128xi32, #tpu.memory_space<vmem>>
    %dma_wait3A_105 = arith.constant 0 : i32
    %dma_wait3A_106 = tpu.memref_slice %arg10[%dma_wait3A_105] : memref<20480xf32, #tpu.memory_space<vmem_shared>> -> memref<20480xf32, #tpu.memory_space<vmem_shared>>
    tpu.wait_indirect_dma semaphore(%arg11 : memref<!tpu.dma_semaphore, #tpu.memory_space<semaphore_mem>>) src(%arg8 : memref<128xf32, #tpu.memory_space<vmem>>) dst(%dma_wait3A_106 : memref<20480xf32, #tpu.memory_space<vmem_shared>>)
    %dma_wait3A_107 = arith.constant 0 : i32
    %dma_wait3A_108 = arith.constant 0 : i32
    %dma_wait3A_109 = tpu.memref_slice %arg7[%dma_wait3A_107, %dma_wait3A_108] : memref<25x128xi32, #tpu.memory_space<vmem>> -> memref<1x128xi32, #tpu.memory_space<vmem>>
    %dma_wait3A_110 = tpu.memref_squeeze %dma_wait3A_109 : memref<1x128xi32, #tpu.memory_space<vmem>> -> memref<128xi32, #tpu.memory_space<vmem>>
    %dma_wait3A_111 = arith.constant 0 : i32
    %dma_wait3A_112 = tpu.memref_slice %arg10[%dma_wait3A_111] : memref<20480xf32, #tpu.memory_space<vmem_shared>> -> memref<20480xf32, #tpu.memory_space<vmem_shared>>
    tpu.wait_indirect_dma semaphore(%arg11 : memref<!tpu.dma_semaphore, #tpu.memory_space<semaphore_mem>>) src(%arg8 : memref<128xf32, #tpu.memory_space<vmem>>) dst(%dma_wait3A_112 : memref<20480xf32, #tpu.memory_space<vmem_shared>>)
    %dma_wait3A_113 = arith.constant 0 : i32
    %dma_wait3A_114 = arith.constant 0 : i32
    %dma_wait3A_115 = tpu.memref_slice %arg7[%dma_wait3A_113, %dma_wait3A_114] : memref<25x128xi32, #tpu.memory_space<vmem>> -> memref<1x128xi32, #tpu.memory_space<vmem>>
    %dma_wait3A_116 = tpu.memref_squeeze %dma_wait3A_115 : memref<1x128xi32, #tpu.memory_space<vmem>> -> memref<128xi32, #tpu.memory_space<vmem>>
    %dma_wait3A_117 = arith.constant 0 : i32
    %dma_wait3A_118 = tpu.memref_slice %arg10[%dma_wait3A_117] : memref<20480xf32, #tpu.memory_space<vmem_shared>> -> memref<20480xf32, #tpu.memory_space<vmem_shared>>
    tpu.wait_indirect_dma semaphore(%arg11 : memref<!tpu.dma_semaphore, #tpu.memory_space<semaphore_mem>>) src(%arg8 : memref<128xf32, #tpu.memory_space<vmem>>) dst(%dma_wait3A_118 : memref<20480xf32, #tpu.memory_space<vmem_shared>>)
    %dma_wait3A_119 = arith.constant 0 : i32
    %dma_wait3A_120 = arith.constant 0 : i32
    %dma_wait3A_121 = tpu.memref_slice %arg7[%dma_wait3A_119, %dma_wait3A_120] : memref<25x128xi32, #tpu.memory_space<vmem>> -> memref<1x128xi32, #tpu.memory_space<vmem>>
    %dma_wait3A_122 = tpu.memref_squeeze %dma_wait3A_121 : memref<1x128xi32, #tpu.memory_space<vmem>> -> memref<128xi32, #tpu.memory_space<vmem>>
    %dma_wait3A_123 = arith.constant 0 : i32
    %dma_wait3A_124 = tpu.memref_slice %arg10[%dma_wait3A_123] : memref<20480xf32, #tpu.memory_space<vmem_shared>> -> memref<20480xf32, #tpu.memory_space<vmem_shared>>
    tpu.wait_indirect_dma semaphore(%arg11 : memref<!tpu.dma_semaphore, #tpu.memory_space<semaphore_mem>>) src(%arg8 : memref<128xf32, #tpu.memory_space<vmem>>) dst(%dma_wait3A_124 : memref<20480xf32, #tpu.memory_space<vmem_shared>>)
    %dma_wait3A_125 = arith.constant 0 : i32
    %dma_wait3A_126 = arith.constant 0 : i32
    %dma_wait3A_127 = tpu.memref_slice %arg7[%dma_wait3A_125, %dma_wait3A_126] : memref<25x128xi32, #tpu.memory_space<vmem>> -> memref<1x128xi32, #tpu.memory_space<vmem>>
    %dma_wait3A_128 = tpu.memref_squeeze %dma_wait3A_127 : memref<1x128xi32, #tpu.memory_space<vmem>> -> memref<128xi32, #tpu.memory_space<vmem>>
    %dma_wait3A_129 = arith.constant 0 : i32
    %dma_wait3A_130 = tpu.memref_slice %arg10[%dma_wait3A_129] : memref<20480xf32, #tpu.memory_space<vmem_shared>> -> memref<20480xf32, #tpu.memory_space<vmem_shared>>
    tpu.wait_indirect_dma semaphore(%arg11 : memref<!tpu.dma_semaphore, #tpu.memory_space<semaphore_mem>>) src(%arg8 : memref<128xf32, #tpu.memory_space<vmem>>) dst(%dma_wait3A_130 : memref<20480xf32, #tpu.memory_space<vmem_shared>>)
    %dma_wait3A_131 = arith.constant 0 : i32
    %dma_wait3A_132 = arith.constant 0 : i32
    %dma_wait3A_133 = tpu.memref_slice %arg7[%dma_wait3A_131, %dma_wait3A_132] : memref<25x128xi32, #tpu.memory_space<vmem>> -> memref<1x128xi32, #tpu.memory_space<vmem>>
    %dma_wait3A_134 = tpu.memref_squeeze %dma_wait3A_133 : memref<1x128xi32, #tpu.memory_space<vmem>> -> memref<128xi32, #tpu.memory_space<vmem>>
    %dma_wait3A_135 = arith.constant 0 : i32
    %dma_wait3A_136 = tpu.memref_slice %arg10[%dma_wait3A_135] : memref<20480xf32, #tpu.memory_space<vmem_shared>> -> memref<20480xf32, #tpu.memory_space<vmem_shared>>
    tpu.wait_indirect_dma semaphore(%arg11 : memref<!tpu.dma_semaphore, #tpu.memory_space<semaphore_mem>>) src(%arg8 : memref<128xf32, #tpu.memory_space<vmem>>) dst(%dma_wait3A_136 : memref<20480xf32, #tpu.memory_space<vmem_shared>>)
    %dma_wait3A_137 = arith.constant 0 : i32
    %dma_wait3A_138 = arith.constant 0 : i32
    %dma_wait3A_139 = tpu.memref_slice %arg7[%dma_wait3A_137, %dma_wait3A_138] : memref<25x128xi32, #tpu.memory_space<vmem>> -> memref<1x128xi32, #tpu.memory_space<vmem>>
    %dma_wait3A_140 = tpu.memref_squeeze %dma_wait3A_139 : memref<1x128xi32, #tpu.memory_space<vmem>> -> memref<128xi32, #tpu.memory_space<vmem>>
    %dma_wait3A_141 = arith.constant 0 : i32
    %dma_wait3A_142 = tpu.memref_slice %arg10[%dma_wait3A_141] : memref<20480xf32, #tpu.memory_space<vmem_shared>> -> memref<20480xf32, #tpu.memory_space<vmem_shared>>
    tpu.wait_indirect_dma semaphore(%arg11 : memref<!tpu.dma_semaphore, #tpu.memory_space<semaphore_mem>>) src(%arg8 : memref<128xf32, #tpu.memory_space<vmem>>) dst(%dma_wait3A_142 : memref<20480xf32, #tpu.memory_space<vmem_shared>>)
    %dma_wait3A_143 = arith.constant 0 : i32
    %dma_wait3A_144 = arith.constant 0 : i32
    %dma_wait3A_145 = tpu.memref_slice %arg7[%dma_wait3A_143, %dma_wait3A_144] : memref<25x128xi32, #tpu.memory_space<vmem>> -> memref<1x128xi32, #tpu.memory_space<vmem>>
    %dma_wait3A_146 = tpu.memref_squeeze %dma_wait3A_145 : memref<1x128xi32, #tpu.memory_space<vmem>> -> memref<128xi32, #tpu.memory_space<vmem>>
    %dma_wait3A_147 = arith.constant 0 : i32
    %dma_wait3A_148 = tpu.memref_slice %arg10[%dma_wait3A_147] : memref<20480xf32, #tpu.memory_space<vmem_shared>> -> memref<20480xf32, #tpu.memory_space<vmem_shared>>
    tpu.wait_indirect_dma semaphore(%arg11 : memref<!tpu.dma_semaphore, #tpu.memory_space<semaphore_mem>>) src(%arg8 : memref<128xf32, #tpu.memory_space<vmem>>) dst(%dma_wait3A_148 : memref<20480xf32, #tpu.memory_space<vmem_shared>>)
    %dma_wait3A_149 = arith.constant 0 : i32
    %dma_wait3A_150 = arith.constant 0 : i32
    %dma_wait3A_151 = tpu.memref_slice %arg7[%dma_wait3A_149, %dma_wait3A_150] : memref<25x128xi32, #tpu.memory_space<vmem>> -> memref<1x128xi32, #tpu.memory_space<vmem>>
    %dma_wait3A_152 = tpu.memref_squeeze %dma_wait3A_151 : memref<1x128xi32, #tpu.memory_space<vmem>> -> memref<128xi32, #tpu.memory_space<vmem>>
    %dma_wait3A_153 = arith.constant 0 : i32
    %dma_wait3A_154 = tpu.memref_slice %arg10[%dma_wait3A_153] : memref<20480xf32, #tpu.memory_space<vmem_shared>> -> memref<20480xf32, #tpu.memory_space<vmem_shared>>
    tpu.wait_indirect_dma semaphore(%arg11 : memref<!tpu.dma_semaphore, #tpu.memory_space<semaphore_mem>>) src(%arg8 : memref<128xf32, #tpu.memory_space<vmem>>) dst(%dma_wait3A_154 : memref<20480xf32, #tpu.memory_space<vmem_shared>>)
    %dma_wait3A_155 = arith.constant 0 : i32
    %dma_wait3A_156 = arith.constant 0 : i32
    %dma_wait3A_157 = tpu.memref_slice %arg7[%dma_wait3A_155, %dma_wait3A_156] : memref<25x128xi32, #tpu.memory_space<vmem>> -> memref<1x128xi32, #tpu.memory_space<vmem>>
    %dma_wait3A_158 = tpu.memref_squeeze %dma_wait3A_157 : memref<1x128xi32, #tpu.memory_space<vmem>> -> memref<128xi32, #tpu.memory_space<vmem>>
    %dma_wait3A_159 = arith.constant 0 : i32
    %dma_wait3A_160 = tpu.memref_slice %arg10[%dma_wait3A_159] : memref<20480xf32, #tpu.memory_space<vmem_shared>> -> memref<20480xf32, #tpu.memory_space<vmem_shared>>
    tpu.wait_indirect_dma semaphore(%arg11 : memref<!tpu.dma_semaphore, #tpu.memory_space<semaphore_mem>>) src(%arg8 : memref<128xf32, #tpu.memory_space<vmem>>) dst(%dma_wait3A_160 : memref<20480xf32, #tpu.memory_space<vmem_shared>>)
    %dma_wait3A_161 = arith.constant 0 : i32
    %dma_wait3A_162 = arith.constant 0 : i32
    %dma_wait3A_163 = tpu.memref_slice %arg7[%dma_wait3A_161, %dma_wait3A_162] : memref<25x128xi32, #tpu.memory_space<vmem>> -> memref<1x128xi32, #tpu.memory_space<vmem>>
    %dma_wait3A_164 = tpu.memref_squeeze %dma_wait3A_163 : memref<1x128xi32, #tpu.memory_space<vmem>> -> memref<128xi32, #tpu.memory_space<vmem>>
    %dma_wait3A_165 = arith.constant 0 : i32
    %dma_wait3A_166 = tpu.memref_slice %arg10[%dma_wait3A_165] : memref<20480xf32, #tpu.memory_space<vmem_shared>> -> memref<20480xf32, #tpu.memory_space<vmem_shared>>
    tpu.wait_indirect_dma semaphore(%arg11 : memref<!tpu.dma_semaphore, #tpu.memory_space<semaphore_mem>>) src(%arg8 : memref<128xf32, #tpu.memory_space<vmem>>) dst(%dma_wait3A_166 : memref<20480xf32, #tpu.memory_space<vmem_shared>>)
    %dma_wait3A_167 = arith.constant 0 : i32
    %dma_wait3A_168 = arith.constant 0 : i32
    %dma_wait3A_169 = tpu.memref_slice %arg7[%dma_wait3A_167, %dma_wait3A_168] : memref<25x128xi32, #tpu.memory_space<vmem>> -> memref<1x128xi32, #tpu.memory_space<vmem>>
    %dma_wait3A_170 = tpu.memref_squeeze %dma_wait3A_169 : memref<1x128xi32, #tpu.memory_space<vmem>> -> memref<128xi32, #tpu.memory_space<vmem>>
    %dma_wait3A_171 = arith.constant 0 : i32
    %dma_wait3A_172 = tpu.memref_slice %arg10[%dma_wait3A_171] : memref<20480xf32, #tpu.memory_space<vmem_shared>> -> memref<20480xf32, #tpu.memory_space<vmem_shared>>
    tpu.wait_indirect_dma semaphore(%arg11 : memref<!tpu.dma_semaphore, #tpu.memory_space<semaphore_mem>>) src(%arg8 : memref<128xf32, #tpu.memory_space<vmem>>) dst(%dma_wait3A_172 : memref<20480xf32, #tpu.memory_space<vmem_shared>>)
    %dma_wait3A_173 = arith.constant 0 : i32
    %dma_wait3A_174 = arith.constant 0 : i32
    %dma_wait3A_175 = tpu.memref_slice %arg7[%dma_wait3A_173, %dma_wait3A_174] : memref<25x128xi32, #tpu.memory_space<vmem>> -> memref<1x128xi32, #tpu.memory_space<vmem>>
    %dma_wait3A_176 = tpu.memref_squeeze %dma_wait3A_175 : memref<1x128xi32, #tpu.memory_space<vmem>> -> memref<128xi32, #tpu.memory_space<vmem>>
    %dma_wait3A_177 = arith.constant 0 : i32
    %dma_wait3A_178 = tpu.memref_slice %arg10[%dma_wait3A_177] : memref<20480xf32, #tpu.memory_space<vmem_shared>> -> memref<20480xf32, #tpu.memory_space<vmem_shared>>
    tpu.wait_indirect_dma semaphore(%arg11 : memref<!tpu.dma_semaphore, #tpu.memory_space<semaphore_mem>>) src(%arg8 : memref<128xf32, #tpu.memory_space<vmem>>) dst(%dma_wait3A_178 : memref<20480xf32, #tpu.memory_space<vmem_shared>>)
    %dma_wait3A_179 = arith.constant 0 : i32
    %dma_wait3A_180 = arith.constant 0 : i32
    %dma_wait3A_181 = tpu.memref_slice %arg7[%dma_wait3A_179, %dma_wait3A_180] : memref<25x128xi32, #tpu.memory_space<vmem>> -> memref<1x128xi32, #tpu.memory_space<vmem>>
    %dma_wait3A_182 = tpu.memref_squeeze %dma_wait3A_181 : memref<1x128xi32, #tpu.memory_space<vmem>> -> memref<128xi32, #tpu.memory_space<vmem>>
    %dma_wait3A_183 = arith.constant 0 : i32
    %dma_wait3A_184 = tpu.memref_slice %arg10[%dma_wait3A_183] : memref<20480xf32, #tpu.memory_space<vmem_shared>> -> memref<20480xf32, #tpu.memory_space<vmem_shared>>
    tpu.wait_indirect_dma semaphore(%arg11 : memref<!tpu.dma_semaphore, #tpu.memory_space<semaphore_mem>>) src(%arg8 : memref<128xf32, #tpu.memory_space<vmem>>) dst(%dma_wait3A_184 : memref<20480xf32, #tpu.memory_space<vmem_shared>>)
    %dma_wait3A_185 = arith.constant 0 : i32
    %dma_wait3A_186 = arith.constant 0 : i32
    %dma_wait3A_187 = tpu.memref_slice %arg7[%dma_wait3A_185, %dma_wait3A_186] : memref<25x128xi32, #tpu.memory_space<vmem>> -> memref<1x128xi32, #tpu.memory_space<vmem>>
    %dma_wait3A_188 = tpu.memref_squeeze %dma_wait3A_187 : memref<1x128xi32, #tpu.memory_space<vmem>> -> memref<128xi32, #tpu.memory_space<vmem>>
    %dma_wait3A_189 = arith.constant 0 : i32
    %dma_wait3A_190 = tpu.memref_slice %arg10[%dma_wait3A_189] : memref<20480xf32, #tpu.memory_space<vmem_shared>> -> memref<20480xf32, #tpu.memory_space<vmem_shared>>
    tpu.wait_indirect_dma semaphore(%arg11 : memref<!tpu.dma_semaphore, #tpu.memory_space<semaphore_mem>>) src(%arg8 : memref<128xf32, #tpu.memory_space<vmem>>) dst(%dma_wait3A_190 : memref<20480xf32, #tpu.memory_space<vmem_shared>>)
    %dma_wait3A_191 = arith.constant 0 : i32
    %dma_wait3A_192 = arith.constant 0 : i32
    %dma_wait3A_193 = tpu.memref_slice %arg7[%dma_wait3A_191, %dma_wait3A_192] : memref<25x128xi32, #tpu.memory_space<vmem>> -> memref<1x128xi32, #tpu.memory_space<vmem>>
    %dma_wait3A_194 = tpu.memref_squeeze %dma_wait3A_193 : memref<1x128xi32, #tpu.memory_space<vmem>> -> memref<128xi32, #tpu.memory_space<vmem>>
    %dma_wait3A_195 = arith.constant 0 : i32
    %dma_wait3A_196 = tpu.memref_slice %arg10[%dma_wait3A_195] : memref<20480xf32, #tpu.memory_space<vmem_shared>> -> memref<20480xf32, #tpu.memory_space<vmem_shared>>
    tpu.wait_indirect_dma semaphore(%arg11 : memref<!tpu.dma_semaphore, #tpu.memory_space<semaphore_mem>>) src(%arg8 : memref<128xf32, #tpu.memory_space<vmem>>) dst(%dma_wait3A_196 : memref<20480xf32, #tpu.memory_space<vmem_shared>>)
    %dma_wait3A_197 = arith.constant 0 : i32
    %dma_wait3A_198 = arith.constant 0 : i32
    %dma_wait3A_199 = tpu.memref_slice %arg7[%dma_wait3A_197, %dma_wait3A_198] : memref<25x128xi32, #tpu.memory_space<vmem>> -> memref<1x128xi32, #tpu.memory_space<vmem>>
    %dma_wait3A_200 = tpu.memref_squeeze %dma_wait3A_199 : memref<1x128xi32, #tpu.memory_space<vmem>> -> memref<128xi32, #tpu.memory_space<vmem>>
    %dma_wait3A_201 = arith.constant 0 : i32
    %dma_wait3A_202 = tpu.memref_slice %arg10[%dma_wait3A_201] : memref<20480xf32, #tpu.memory_space<vmem_shared>> -> memref<20480xf32, #tpu.memory_space<vmem_shared>>
    tpu.wait_indirect_dma semaphore(%arg11 : memref<!tpu.dma_semaphore, #tpu.memory_space<semaphore_mem>>) src(%arg8 : memref<128xf32, #tpu.memory_space<vmem>>) dst(%dma_wait3A_202 : memref<20480xf32, #tpu.memory_space<vmem_shared>>)
    %dma_wait3A_203 = arith.constant 0 : i32
    %dma_wait3A_204 = arith.constant 0 : i32
    %dma_wait3A_205 = tpu.memref_slice %arg7[%dma_wait3A_203, %dma_wait3A_204] : memref<25x128xi32, #tpu.memory_space<vmem>> -> memref<1x128xi32, #tpu.memory_space<vmem>>
    %dma_wait3A_206 = tpu.memref_squeeze %dma_wait3A_205 : memref<1x128xi32, #tpu.memory_space<vmem>> -> memref<128xi32, #tpu.memory_space<vmem>>
    %dma_wait3A_207 = arith.constant 0 : i32
    %dma_wait3A_208 = tpu.memref_slice %arg10[%dma_wait3A_207] : memref<20480xf32, #tpu.memory_space<vmem_shared>> -> memref<20480xf32, #tpu.memory_space<vmem_shared>>
    tpu.wait_indirect_dma semaphore(%arg11 : memref<!tpu.dma_semaphore, #tpu.memory_space<semaphore_mem>>) src(%arg8 : memref<128xf32, #tpu.memory_space<vmem>>) dst(%dma_wait3A_208 : memref<20480xf32, #tpu.memory_space<vmem_shared>>)
    %dma_wait3A_209 = arith.constant 0 : i32
    %dma_wait3A_210 = arith.constant 0 : i32
    %dma_wait3A_211 = tpu.memref_slice %arg7[%dma_wait3A_209, %dma_wait3A_210] : memref<25x128xi32, #tpu.memory_space<vmem>> -> memref<1x128xi32, #tpu.memory_space<vmem>>
    %dma_wait3A_212 = tpu.memref_squeeze %dma_wait3A_211 : memref<1x128xi32, #tpu.memory_space<vmem>> -> memref<128xi32, #tpu.memory_space<vmem>>
    %dma_wait3A_213 = arith.constant 0 : i32
    %dma_wait3A_214 = tpu.memref_slice %arg10[%dma_wait3A_213] : memref<20480xf32, #tpu.memory_space<vmem_shared>> -> memref<20480xf32, #tpu.memory_space<vmem_shared>>
    tpu.wait_indirect_dma semaphore(%arg11 : memref<!tpu.dma_semaphore, #tpu.memory_space<semaphore_mem>>) src(%arg8 : memref<128xf32, #tpu.memory_space<vmem>>) dst(%dma_wait3A_214 : memref<20480xf32, #tpu.memory_space<vmem_shared>>)
    %dma_wait3A_215 = arith.constant 0 : i32
    %dma_wait3A_216 = arith.constant 0 : i32
    %dma_wait3A_217 = tpu.memref_slice %arg7[%dma_wait3A_215, %dma_wait3A_216] : memref<25x128xi32, #tpu.memory_space<vmem>> -> memref<1x128xi32, #tpu.memory_space<vmem>>
    %dma_wait3A_218 = tpu.memref_squeeze %dma_wait3A_217 : memref<1x128xi32, #tpu.memory_space<vmem>> -> memref<128xi32, #tpu.memory_space<vmem>>
    %dma_wait3A_219 = arith.constant 0 : i32
    %dma_wait3A_220 = tpu.memref_slice %arg10[%dma_wait3A_219] : memref<20480xf32, #tpu.memory_space<vmem_shared>> -> memref<20480xf32, #tpu.memory_space<vmem_shared>>
    tpu.wait_indirect_dma semaphore(%arg11 : memref<!tpu.dma_semaphore, #tpu.memory_space<semaphore_mem>>) src(%arg8 : memref<128xf32, #tpu.memory_space<vmem>>) dst(%dma_wait3A_220 : memref<20480xf32, #tpu.memory_space<vmem_shared>>)
    %dma_wait3A_221 = arith.constant 0 : i32
    %dma_wait3A_222 = arith.constant 0 : i32
    %dma_wait3A_223 = tpu.memref_slice %arg7[%dma_wait3A_221, %dma_wait3A_222] : memref<25x128xi32, #tpu.memory_space<vmem>> -> memref<1x128xi32, #tpu.memory_space<vmem>>
    %dma_wait3A_224 = tpu.memref_squeeze %dma_wait3A_223 : memref<1x128xi32, #tpu.memory_space<vmem>> -> memref<128xi32, #tpu.memory_space<vmem>>
    %dma_wait3A_225 = arith.constant 0 : i32
    %dma_wait3A_226 = tpu.memref_slice %arg10[%dma_wait3A_225] : memref<20480xf32, #tpu.memory_space<vmem_shared>> -> memref<20480xf32, #tpu.memory_space<vmem_shared>>
    tpu.wait_indirect_dma semaphore(%arg11 : memref<!tpu.dma_semaphore, #tpu.memory_space<semaphore_mem>>) src(%arg8 : memref<128xf32, #tpu.memory_space<vmem>>) dst(%dma_wait3A_226 : memref<20480xf32, #tpu.memory_space<vmem_shared>>)
    %barrier3A_227 = arith.constant 0 : index
    tpu.barrier barrier_id(%barrier3A_227)
    %eq3A = arith.constant 0 : i32
    %eq3A_228 = arith.cmpi eq, %arg1, %eq3A : i32
    %convert_element_type3A = arith.extui %eq3A_228 : i1 to i32
    %cond3A = arith.constant 0 : i32
    %cond3A_229 = arith.cmpi ne, %convert_element_type3A, %cond3A : i32
    scf.if %cond3A_229 {
      "tpu.region"() ({
        %run_scoped3A = tpu.sem_alloc : memref<!tpu.dma_semaphore, #tpu.memory_space<semaphore_mem>>
        %dma_start3A_230 = arith.constant 0 : i32
        %dma_start3A_231 = tpu.memref_slice %arg4[%arg0, %dma_start3A_230] : memref<2x20480xf32, #tpu.memory_space<hbm>> -> memref<1x20480xf32, #tpu.memory_space<hbm>>
        %dma_start3A_232 = tpu.memref_squeeze %dma_start3A_231 : memref<1x20480xf32, #tpu.memory_space<hbm>> -> memref<20480xf32, #tpu.memory_space<hbm>>
        tpu.enqueue_dma source(%arg10 : memref<20480xf32, #tpu.memory_space<vmem_shared>>) target(%dma_start3A_232 : memref<20480xf32, #tpu.memory_space<hbm>>) target_semaphore(%run_scoped3A : memref<!tpu.dma_semaphore, #tpu.memory_space<semaphore_mem>>)
        %dma_wait3A_233 = arith.constant 0 : i32
        %dma_wait3A_234 = tpu.memref_slice %arg4[%arg0, %dma_wait3A_233] : memref<2x20480xf32, #tpu.memory_space<hbm>> -> memref<1x20480xf32, #tpu.memory_space<hbm>>
        %dma_wait3A_235 = tpu.memref_squeeze %dma_wait3A_234 : memref<1x20480xf32, #tpu.memory_space<hbm>> -> memref<20480xf32, #tpu.memory_space<hbm>>
        tpu.wait_dma2 semaphore(%run_scoped3A : memref<!tpu.dma_semaphore, #tpu.memory_space<semaphore_mem>>) src(%arg10 : memref<20480xf32, #tpu.memory_space<vmem_shared>>) dst(%dma_wait3A_235 : memref<20480xf32, #tpu.memory_space<hbm>>)
        tpu.yield
      }) : () -> ()
    } else {
    }
    return
  }
}

module attributes {stable_mosaic.version = 14 : i64} {
  func.func @_auc_kernel(%arg0: memref<2x20480xf32, #tpu.memory_space<vmem>>, %arg1: memref<1x1xf32, #tpu.memory_space<vmem>>) attributes {dimension_semantics = [], scalar_prefetch = 0 : i64, scratch_operands = 0 : i64, tpu.core_type = #tpu.core_type<tc>} {
    %get3A = arith.constant 0 : index
    %get3A_0 = arith.constant 0 : index
    %get3A_1 = vector.load %arg0[%get3A, %get3A_0] : memref<2x20480xf32, #tpu.memory_space<vmem>>, vector<1x20480xf32>
    %get3A_2 = vector.shape_cast %get3A_1 : vector<1x20480xf32> to vector<20480xf32>
    %get3A_3 = arith.constant 1 : index
    %get3A_4 = arith.constant 0 : index
    %get3A_5 = vector.load %arg0[%get3A_3, %get3A_4] : memref<2x20480xf32, #tpu.memory_space<vmem>>, vector<1x20480xf32>
    %get3A_6 = vector.shape_cast %get3A_5 : vector<1x20480xf32> to vector<20480xf32>
    %add3A = arith.addf %get3A_2, %get3A_6 : vector<20480xf32>
    %reshape3A = vector.shape_cast %add3A : vector<20480xf32> to vector<160x128xf32>
    %slice3A = vector.extract_strided_slice %reshape3A {offsets = [0, 0], sizes = [80, 128], strides = [1, 1]} : vector<160x128xf32> to vector<80x128xf32>
    %slice3A_7 = vector.extract_strided_slice %reshape3A {offsets = [80, 0], sizes = [80, 128], strides = [1, 1]} : vector<160x128xf32> to vector<80x128xf32>
    %iota3A = tpu.iota {dimensions = array<i32: 0>} : vector<80x128xi32>
    %iota3A_8 = tpu.iota {dimensions = array<i32: 1>} : vector<80x128xi32>
    %mul3A = arith.constant 128 : i32
    %mul3A_9 = vector.broadcast %mul3A : i32 to vector<80x128xi32>
    %mul3A_10 = arith.muli %iota3A, %mul3A_9 : vector<80x128xi32>
    %add3A_11 = arith.addi %mul3A_10, %iota3A_8 : vector<80x128xi32>
    %lt3A = arith.constant 10001 : i32
    %lt3A_12 = vector.broadcast %lt3A : i32 to vector<80x128xi32>
    %lt3A_13 = arith.cmpi slt, %add3A_11, %lt3A_12 : vector<80x128xi32>
    %jit3A = arith.constant 0.000000e+00 : f32
    %broadcast_in_dim3A = vector.broadcast %jit3A : f32 to vector<80x128xf32>
    %select_n3A = arith.select %lt3A_13, %slice3A, %broadcast_in_dim3A : vector<80x128xi1>, vector<80x128xf32>
    %jit3A_14 = arith.constant 0.000000e+00 : f32
    %broadcast_in_dim3A_15 = vector.broadcast %jit3A_14 : f32 to vector<80x128xf32>
    %select_n3A_16 = arith.select %lt3A_13, %slice3A_7, %broadcast_in_dim3A_15 : vector<80x128xi1>, vector<80x128xf32>
    %iota3A_17 = tpu.iota {dimensions = array<i32: 0>} : vector<128x128xi32>
    %iota3A_18 = tpu.iota {dimensions = array<i32: 1>} : vector<128x128xi32>
    %lt3A_19 = arith.cmpi slt, %iota3A_17, %iota3A_18 : vector<128x128xi32>
    %convert_element_type3A = arith.extui %lt3A_19 : vector<128x128xi1> to vector<128x128xi32>
    %convert_element_type3A_20 = arith.sitofp %convert_element_type3A : vector<128x128xi32> to vector<128x128xf32>
    %dot_general3A = arith.constant dense<0.000000e+00> : vector<80x128xf32>
    %dot_general3A_21 = tpu.matmul %select_n3A_16, %convert_element_type3A_20, %dot_general3A {dimension_numbers = #tpu.dot_dimension_numbers<[1], [0], [0], [1], [0, 0, 1, 1], [], []>, precision = #tpu.contract_precision<fp32>, transpose_lhs_hint = false} : vector<80x128xf32>, vector<128x128xf32>, vector<80x128xf32> -> vector<80x128xf32>
    %reduce_sum3A = arith.constant dense<0.000000e+00> : vector<80xf32>
    %reduce_sum3A_22 = vector.multi_reduction <add>, %select_n3A_16, %reduce_sum3A [1] : vector<80x128xf32> to vector<80xf32>
    %broadcast_in_dim3A_23 = vector.shape_cast %reduce_sum3A_22 : vector<80xf32> to vector<80x1xf32>
    %iota3A_24 = tpu.iota {dimensions = array<i32: 0>} : vector<80x80xi32>
    %iota3A_25 = tpu.iota {dimensions = array<i32: 1>} : vector<80x80xi32>
    %lt3A_26 = arith.cmpi slt, %iota3A_25, %iota3A_24 : vector<80x80xi32>
    %convert_element_type3A_27 = arith.extui %lt3A_26 : vector<80x80xi1> to vector<80x80xi32>
    %convert_element_type3A_28 = arith.sitofp %convert_element_type3A_27 : vector<80x80xi32> to vector<80x80xf32>
    %dot_general3A_29 = arith.constant dense<0.000000e+00> : vector<80x1xf32>
    %dot_general3A_30 = tpu.matmul %convert_element_type3A_28, %broadcast_in_dim3A_23, %dot_general3A_29 {dimension_numbers = #tpu.dot_dimension_numbers<[1], [0], [0], [1], [0, 0, 1, 1], [], []>, precision = #tpu.contract_precision<fp32>, transpose_lhs_hint = false} : vector<80x80xf32>, vector<80x1xf32>, vector<80x1xf32> -> vector<80x1xf32>
    %reduce_sum3A_31 = vector.shape_cast %select_n3A_16 : vector<80x128xf32> to vector<1x80x128xf32>
    %reduce_sum3A_32 = arith.constant dense<0.000000e+00> : vector<1xf32>
    %reduce_sum3A_33 = vector.multi_reduction <add>, %reduce_sum3A_31, %reduce_sum3A_32 [1, 2] : vector<1x80x128xf32> to vector<1xf32>
    %reduce_sum3A_34 = vector.shape_cast %reduce_sum3A_33 : vector<1xf32> to vector<1x1x1xf32>
    %reduce_sum3A_35 = vector.extract %reduce_sum3A_34[0, 0, 0] : f32 from vector<1x1x1xf32>
    %broadcast_in_dim3A_36 = vector.broadcast %reduce_sum3A_35 : f32 to vector<1x1xf32>
    %reduce_sum3A_37 = vector.shape_cast %select_n3A : vector<80x128xf32> to vector<1x80x128xf32>
    %reduce_sum3A_38 = arith.constant dense<0.000000e+00> : vector<1xf32>
    %reduce_sum3A_39 = vector.multi_reduction <add>, %reduce_sum3A_37, %reduce_sum3A_38 [1, 2] : vector<1x80x128xf32> to vector<1xf32>
    %reduce_sum3A_40 = vector.shape_cast %reduce_sum3A_39 : vector<1xf32> to vector<1x1x1xf32>
    %reduce_sum3A_41 = vector.extract %reduce_sum3A_40[0, 0, 0] : f32 from vector<1x1x1xf32>
    %broadcast_in_dim3A_42 = vector.broadcast %reduce_sum3A_41 : f32 to vector<1x1xf32>
    %add3A_43 = vector.broadcast %dot_general3A_30 : vector<80x1xf32> to vector<80x128xf32>
    %add3A_44 = arith.addf %add3A_43, %dot_general3A_21 : vector<80x128xf32>
    %sub3A = vector.broadcast %broadcast_in_dim3A_36 : vector<1x1xf32> to vector<80x128xf32>
    %sub3A_45 = arith.subf %sub3A, %add3A_44 : vector<80x128xf32>
    %mul3A_46 = arith.constant 5.000000e-01 : f32
    %mul3A_47 = vector.broadcast %mul3A_46 : f32 to vector<80x128xf32>
    %mul3A_48 = arith.mulf %mul3A_47, %select_n3A_16 : vector<80x128xf32>
    %sub3A_49 = arith.subf %sub3A_45, %mul3A_48 : vector<80x128xf32>
    %mul3A_50 = arith.mulf %select_n3A, %sub3A_49 : vector<80x128xf32>
    %reduce_sum3A_51 = vector.shape_cast %mul3A_50 : vector<80x128xf32> to vector<1x80x128xf32>
    %reduce_sum3A_52 = arith.constant dense<0.000000e+00> : vector<1xf32>
    %reduce_sum3A_53 = vector.multi_reduction <add>, %reduce_sum3A_51, %reduce_sum3A_52 [1, 2] : vector<1x80x128xf32> to vector<1xf32>
    %reduce_sum3A_54 = vector.shape_cast %reduce_sum3A_53 : vector<1xf32> to vector<1x1x1xf32>
    %reduce_sum3A_55 = vector.extract %reduce_sum3A_54[0, 0, 0] : f32 from vector<1x1x1xf32>
    %broadcast_in_dim3A_56 = vector.broadcast %reduce_sum3A_55 : f32 to vector<1x1xf32>
    %mul3A_57 = arith.mulf %broadcast_in_dim3A_36, %broadcast_in_dim3A_42 : vector<1x1xf32>
    %div3A = arith.divf %broadcast_in_dim3A_56, %mul3A_57 : vector<1x1xf32>
    %swap3A = arith.constant 0 : index
    %swap3A_58 = arith.constant 0 : index
    %swap3A_59 = vector.load %arg1[%swap3A, %swap3A_58] : memref<1x1xf32, #tpu.memory_space<vmem>>, vector<1x1xf32>
    tpu.vector_store %arg1[%swap3A, %swap3A_58], %div3A {strides = array<i32>} : memref<1x1xf32, #tpu.memory_space<vmem>>, vector<1x1xf32>,
    return
  }
}

</mosaic_0001>

<sc_bundles>
// kernel: kernel.4.cloned.1.call-start
scs
__scs_entry_jumppad:
0x0: {  	(pc) =	sbr.rel $0x88, $3  }
0x1: {  	(tag) =	ssettag $0x0;
	lr =	simm.s32 $0x1  }
0x2: {  	[smem:$0x3F9F] =	sst lr;
	_ =	strace $0xD0000000  }
0x3: {  	_ = 	snop  }
0x4: {  	_ = 	snop  }
0x5: {  	_ = 	snop  }
0x6: {  	_ = 	snop  }
0x7: {  	_ = 	snop  }
__scs_overlays_trampoline_lowered:
0x8: {  	[smem:$0x3FAE] =	sst s0  }
0x9: {  	[smem:$0x3FAF] =	sst s1  }
0xa: {  	[smem:$0x3FB0] =	sst s2  }
0xb: {  	[smem:$0x3FB1] =	sst s3  }
0xc: {  	[smem:$0x3FB2] =	sst s4  }
0xd: {  	[smem:$0x3FB3] =	sst s5  }
0xe: {  	[smem:$0x3FB4] =	sst s6  }
0xf: {  	[smem:$0x3FB5] =	sst s7  }
0x10: {  	[smem:$0x3FB6] =	sst s8  }
0x11: {  	[smem:$0x3FB7] =	sst s9;
	s0 =	simm.s32 @!p0 $0x0  }
0x12: {  	s1 =	sld [smem:$0x3F9D];
	s0 =	simm.s32 @p0 $0x1  }
0x13: {  	[smem:$0x3FB8] =	sst s0;
	s0 =	simm.s32 @!p1 $0x0  }
0x14: {  	s2 =	sld [smem:$0x3F9C];
	s0 =	simm.s32 @p1 $0x1  }
0x15: {  	[smem:$0x3FB9] =	sst s0;
	s0 =	simm.s32 @!p2 $0x0  }
0x16: {  	s3 =	sld [smem:$0x3FDB];
	s0 =	simm.s32 @p2 $0x1  }
0x17: {  	s4 =	simm.s32 $0x1BF5;
	[smem:$0x3FBB] =	sst s0  }
0x18: {  	s0 =	sld [smem:$0x3F9E];
	_ =	swait.ge [sflag:s4], $0x0  }
0x19: {  	s7 =	sld [smem:$0x3F9F]  }
0x1a: {  	s8 =	sadd.s32 $0xFFFFE003, lr  }
0x1b: {  	s9 =	sadd.s32 $0xFFFFFEF7, lr;
	s5 =	simm.s32 $0xFFFFFFFF;
	p2 =	slt.u32 s8, $0xFFFFF086  }
0x1c: {  	p1 =	slt.u32 s9, $0xF7A;
	s5 =	simm.s32 @!p2 $0x0  }
0x1d: {  	s5 =	simm.s32 @p1 $0x1;
	p0 =	seq.s32 s7, s2  }
0x1e: {  	s7 =	smul.u32 @!p0 $0xF7A, s2;
	p2 =	seq.s32 @!p0 s5, $0x0  }
0x1f: {  	s9 =	smul.u32 $0xF7A, s1;
	s8 =	simm.s32 @!p0 $0x1BF5;
	p2 =	por !p2, p0  }
0x20: {  	[sflag:s8] =	ssyncset.s32 @!p0 $0xFFFFF086;
	s6 =	sadd.s32 @!p0 s3, s7;
	s7 =	simm.s32 @!p0 $0x108  }
0x21: {  	s3 =	sadd.s32 s3, s9;
	s6 =	sadd.s32 @!p0 $0x88, s6;
	s7 =	simm.s32 @p2 $0x1082  }
0x22: {  	[simem:s7], [sflag:s8] =	dma.local @!p0 [hbm:s6], $0xF7A  }
0x23: {  	s9 =	sor.u32 $0xD0000000, s2;
	s6 =	simm.s32 $0x108;
	_ =	swait.ge @!p0 [sflag:s8], $0x0  }
0x24: {  	s3 =	sadd.s32 $0x88, s3;
	s6 =	simm.s32 @!p1 $0x1082;
	[sflag:s4] =	ssyncset.s32 $0xFFFFF086  }
0x25: {  	[simem:s6], [sflag:s4] =	dma.local [hbm:s3], $0xF7A  }
0x26: {  	[smem:$0x3F9F] =	sst s1;
	(tag) =	ssettag s2;
	_ =	strace s9  }
0x27: {  	s1 =	sld [smem:$0x3FAF]  }
0x28: {  	s2 =	sld [smem:$0x3FB0]  }
0x29: {  	s4 =	sld [smem:$0x3FB2]  }
0x2a: {  	p0 =	seq.s32 s5, $0x0;
	s5 =	sld [smem:$0x3FB3]  }
0x2b: {  	s6 =	sld [smem:$0x3FB4]  }
0x2c: {  	s7 =	sld [smem:$0x3FB5]  }
0x2d: {  	s3 =	simm.s32 $0x108;
	s8 =	sld [smem:$0x3FB6]  }
0x2e: {  	s3 =	simm.s32 @!p0 $0x1082;
	s9 =	sld [smem:$0x3FB7]  }
0x2f: {  	lr =	sadd.s32 s0, s3;
	s0 =	sld [smem:$0x3FAE]  }
0x30: {  	s3 =	sld [smem:$0x3FB1]  }
0x31: {  	[smem:$0x3FBA] =	sst s10  }
0x32: {  	s10 =	sld [smem:$0x3FB8];
	_ =	sdelay $0x3  }
0x33: {  	p0 =	seq.s32 s10, $0x1;
	s10 =	sld [smem:$0x3FBA];
	_ =	sdelay $0x3  }
0x34: {  	[smem:$0x3FBA] =	sst s10  }
0x35: {  	s10 =	sld [smem:$0x3FB9];
	_ =	sdelay $0x3  }
0x36: {  	p1 =	seq.s32 s10, $0x1;
	s10 =	sld [smem:$0x3FBA];
	_ =	sdelay $0x3  }
0x37: {  	[smem:$0x3FBA] =	sst s10  }
0x38: {  	s10 =	sld [smem:$0x3FBB]  }
0x39: {  	_ = 	snop;
	(pc) =	sbr.ind lr, $3  }
0x3a: {  	_ = 	snop  }
0x3b: {  	_ = 	snop  }
0x3c: {  	p2 =	seq.s32 s10, $0x1;
	s10 =	sld [smem:$0x3FBA]  }
0x3d: {  	_ =	shalt  }
0x3e: {  	_ =	shalt  }
0x3f: {  	_ =	shalt  }
0x40: {  	_ =	shalt  }
0x41: {  	_ =	shalt  }
0x42: {  	_ =	shalt  }
0x43: {  	_ =	shalt  }
0x44: {  	_ =	shalt  }
0x45: {  	_ =	shalt  }
0x46: {  	_ =	shalt  }
0x47: {  	_ =	shalt  }
0x48: {  	_ =	shalt  }
0x49: {  	_ =	shalt  }
0x4a: {  	_ =	shalt  }
0x4b: {  	_ =	shalt  }
0x4c: {  	_ =	shalt  }
0x4d: {  	_ =	shalt  }
0x4e: {  	_ =	shalt  }
0x4f: {  	_ =	shalt  }
0x50: {  	_ =	shalt  }
0x51: {  	_ =	shalt  }
0x52: {  	_ =	shalt  }
0x53: {  	_ =	shalt  }
0x54: {  	_ =	shalt  }
0x55: {  	_ =	shalt  }
0x56: {  	_ =	shalt  }
0x57: {  	_ =	shalt  }
0x58: {  	_ =	shalt  }
0x59: {  	_ =	shalt  }
0x5a: {  	_ =	shalt  }
0x5b: {  	_ =	shalt  }
0x5c: {  	_ =	shalt  }
0x5d: {  	_ =	shalt  }
0x5e: {  	_ =	shalt  }
0x5f: {  	_ =	shalt  }
0x60: {  	_ =	shalt  }
0x61: {  	_ =	shalt  }
0x62: {  	_ =	shalt  }
0x63: {  	_ =	shalt  }
0x64: {  	_ =	shalt  }
0x65: {  	_ =	shalt  }
0x66: {  	_ =	shalt  }
0x67: {  	_ =	shalt  }
0x68: {  	_ =	shalt  }
0x69: {  	_ =	shalt  }
0x6a: {  	_ =	shalt  }
0x6b: {  	_ =	shalt  }
0x6c: {  	_ =	shalt  }
0x6d: {  	_ =	shalt  }
0x6e: {  	_ =	shalt  }
0x6f: {  	_ =	shalt  }
0x70: {  	_ =	shalt  }
0x71: {  	_ =	shalt  }
0x72: {  	_ =	shalt  }
0x73: {  	_ =	shalt  }
0x74: {  	_ =	shalt  }
0x75: {  	_ =	shalt  }
0x76: {  	_ =	shalt  }
0x77: {  	_ =	shalt  }
0x78: {  	_ =	shalt  }
0x79: {  	_ =	shalt  }
0x7a: {  	_ =	shalt  }
0x7b: {  	_ =	shalt  }
0x7c: {  	_ =	shalt  }
0x7d: {  	_ =	shalt  }
0x7e: {  	_ =	shalt  }
0x7f: {  	_ =	shalt  }
0x80: {  	_ =	shalt  }
0x81: {  	_ =	shalt  }
0x82: {  	_ =	shalt  }
0x83: {  	_ =	shalt  }
0x84: {  	_ =	shalt  }
0x85: {  	_ =	shalt  }
0x86: {  	_ =	shalt  }
0x87: {  	_ =	shalt  }
.Lfunc_end0:
.L_simem_size_0:
called_computation_lowered:
.L_overlay_start_0:
0x88: {  	s2 =	sld [smem:$0x3FD9]  }
0x89: {  	s3 =	sld [smem:$0x3FFE];
	_ =	sdelay $0x1  }
0x8a: {  	s1 =	srdreg.scid  }
0x8b: {  	s0 =	sand.u32 $0x1, s1  }
0x8c: {  	s17 =	sshll.u32 s0, $0xA;
	s2 =	sadd.s32 s3, s2  }
0x8d: {  	s2 =	sadd.s32 s2, s17  }
0x8e: {  	[smem:$0x3FC6] =	sst s2  }
0x8f: {  	_ = 	snop  }
0x90: {  	s2 =	sld [smem:$0x3FC9]  }
0x91: {  	s18 =	sld [smem:$0x3FC8];
	(tm) =	ssettm $0x1  }
0x92: {  	s4 =	sld [smem:$0x3FFB];
	_ =	sdelay $0x3  }
0x93: {  	_ =	strace s4  }
0x94: {  	s4 =	sld [smem:$0x3FFC];
	_ =	sdelay $0x3  }
0x95: {  	_ =	strace s4  }
0x96: {  	s4 =	sld [smem:$0x3FFD];
	_ =	sdelay $0x3  }
0x97: {  	_ =	strace s4  }
0x98: {  	_ =	strace $0x8FFFFFFF  }
0x99: {  	s19 =	sld [smem:$0x3FDB];
	_ =	sdelay $0x1  }
0x9a: {  	s5 =	simm.s32 $_scs_section_size  }
0x9b: {  	s6 =	simm.s32 $_size__tile_overlayer_lowered;
	s7 =	simm.s32 $_tile_overlayer_lowered  }
0x9c: {  	s22 =	simm.s32 $0x1BFF;
	s21 =	sshll.u32 s7, $0x1;
	s4 =	sadd.s32 s5, s19  }
0x9d: {  	s8 =	simm.s32 $0x0;
	s20 =	sshll.u32 s6, $0x1;
	s6 =	sadd.s32 s21, s4  }
0x9e: {  	[timem:s8], [sflag:s22] =	dma.local [hbm:s6], s20  }
0x9f: {  	_ =	swait.ge [sflag:s22], s20  }
0xa0: {  	s5 =	ssub.s32 $0x0, s20;
	[sflag:s22] =	ssyncset.done $0x0  }
0xa1: {  	[sflag:s22] =	ssyncadd.s32 s5;
	_ =	sdelay $0x1  }
0xa2: {  	s23 =	simm.s32 $0x1B8B  }
0xa3: {  	_ =	swait.ge [sflag:s23], $0x1  }
0xa4: {  	[sflag:s23] =	ssyncset.done $0x0  }
0xa5: {  	s25 =	simm.s32 $0x1B8E;
	s24 =	sld [smem:$0x3FFE];
	[sflag:s23] =	ssyncadd.s32 $0xFFFFFFFF  }
0xa6: {  	s26 =	simm.s32 $execute0_lowered;
	[smem:$0x3FD2] =	sst s25  }
0xa7: {  	s6 =	sshll.u32 s26, $0x1;
	_ =	strace $0x80000046;
	[dreg:$0x1] =	wrdreg $0xFFFFFFFF  }
0xa8: {  	s28 =	simm.s32 $_size_execute0_lowered;
	s4 =	sadd.s32 s4, s6;
	[dreg:$0x0] =	wrdreg $0x0  }
0xa9: {  	s6 =	sshll.u32 s28, $0x1;
	[dreg:$0x2] =	wrdreg s4  }
0xaa: {  	[dreg:$0x3] =	wrdreg s6  }
0xab: {  	[dreg:$0x4] =	wrdreg $0xC0  }
0xac: {  	_ =	task [dreg:s8], $0x5FFFF  }
0xad: {  	[dreg:$0x1] =	wrdreg $0xFFFFFFFF  }
0xae: {  	[dreg:$0x0] =	wrdreg $0x60  }
0xaf: {  	[dreg:$0x2] =	wrdreg s2  }
0xb0: {  	[dreg:$0x3] =	wrdreg s18  }
0xb1: {  	[dreg:$0x4] =	wrdreg s24  }
0xb2: {  	[dreg:$0x5] =	wrdreg $0x2E800  }
0xb3: {  	[dreg:$0x6] =	wrdreg $0x9  }
0xb4: {  	_ =	task.clear_ibuf [dreg:s8], $0x7FFFF;
	_ =	strace $0x90000046  }
0xb5: {  	s29 =	simm.s32 $0x9;
	_ =	strace $0x80000048  }
0xb6: {  	_ =	swait.ge [sflag:s29], $0x1  }
0xb7: {  	[sflag:s29] =	ssyncadd.s32 $0xFFFFFFFF  }
0xb8: {  	_ =	strace $0x90000048  }
0xb9: {  	_ =	sfence  }
0xba: {  	s30 =	sld [smem:$0x0];
	_ =	sdelay $0x2  }
0xbb: {  	s31 =	sshll.u32 s1, $0xD;
	s1 =	sshrl.u32 s1, $0x2  }
0xbc: {  	s3 =	sand.u32 $0x4000, s31;
	s1 =	sadd.s32 s1, s30  }
0xbd: {  	s0 =	sor.u32 s3, s0;
	s1 =	sshll.u32 s1, $0x11  }
0xbe: {  	s0 =	sor.u32 s1, s0  }
0xbf: {  	s0 =	sadd.s32 $0x8F2B, s0  }
0xc0: {  	[sflag:s0] =	ssyncadd.remote.s32 $0x1  }
0xc1: {  	_ =	sfence.sel $0xFFFF  }
0xc2: {  	[dreg:$0x0] =	wrdreg $0xFFFFFFFF;
	(pc) =	sbr.abs _section_cstart, $3  }
0xc3: {  	[dreg:$0x1] =	wrdreg $0xFFFFFFFF  }
0xc4: {  	_ =	task.clear_ibuf [dreg:s8], $0x2FFFF;
	_ =	strace $0x9FFFFFFF  }
0xc5: {  	(tm) =	ssettm $0x7FFFFFFF  }
tec
execute0_lowered:
.L_overlay_start_1:
0x0: {  	(tag) =	ssettag $0x1  }
0x1: {  	s0 =	rddreg [dreg:$0x0]  }
0x2: {  	s1 =	rddreg [dreg:$0x1]  }
0x3: {  	s2 =	rddreg [dreg:$0x2];
	s3 =	srdreg.scid  }
0x4: {  	s4 =	stileid.u32;
	s19 =	rddreg [dreg:$0x3]  }
0x5: {  	s6 =	simm.s32 $0x0;
	s21 =	simm.s32 $0x80;
	s9 =	smul.u32 $0x1400, s4  }
0x6: {  	s3 =	sand.u32 $0x1, s3;
	s5 =	sshll.u32 s4, $0x1;
	s25 =	smul.u32 $0x186A, s4  }
0x7: {  	[smem:$0x7FF] =	sst s6;
	s28 =	smul.u32 $0xE, s4;
	s5 =	sor.u32 s3, s5  }
0x8: {  	p0 =	sne.s32 s4, $0x0;
	s22 =	sshll.u32 s3, $0x4;
	s5 =	smul.u32 $0xC35, s5  }
0x9: {  	_ =	strace $0x80000047;
	s23 =	ssub.s32 $0x2, s3;
	s3 =	smul.u32 $0xC35, s3  }
0xa: {  	s2 =	sadd.s32 s22, s2;
	s7 =	sshrl.u32 s23, $0x1;
	s8 =	sand.u32 $0x1FFF8, s5  }
0xb: {  	s6 =	ssub.s32 s23, s7;
	s2 =	sadd.s32 $0x600, s2;
	s24 =	smin.u32 s8, $0x17A20  }
0xc: {  	[dreg:$0x11] =	wrdreg s2;
	s31 =	smax.u32 s6, $0x1;
	s7 =	sshrl.u32 s24, $0x3  }
0xd: {  	s26 =	sshrl.u32 s9, $0x2;
	[dreg:$0x12] =	wrdreg s31;
	s0 =	sadd.s32 s0, s7  }
0xe: {  	s29 =	sadd.s32 s3, s25;
	[dreg:$0xe] =	wrdreg s0;
	s0 =	sadd.s32 s26, s19  }
0xf: {  	s1 =	sadd.s32 s1, s7;
	[dreg:$0x10] =	wrdreg s0;
	s0 =	sand.u32 $0x3FFF8, s29  }
0x10: {  	s30 =	sadd.s32 $0x2718, s28;
	[dreg:$0xf] =	wrdreg s1;
	s0 =	smin.u32 s0, $0x17A20  }
0x11: {  	v0 =	vlaneseq.u32;
	v4 =	vimm.f32 $1.000000000e+00;
	v5 =	vimm.f32 $0.0e+00;
	s10 =	sadd.s32 $0xC35, s5;
	[dreg:$0x6] =	wrdreg s0;
	s0 =	sshrl.u32 @!p0 s19, $0x3  }
0x12: {  	s22 =	simm.s32 $0x2900;
	v1 =	vadd.s32 s30, v0;
	v2 =	vmov s5;
	s2 =	simm.s32 $0x0;
	v3 =	vmov s10;
	[dreg:$0x13] =	wrdreg s0  }
.LBB2_1:
0x13: {  	s0 =	simm.s32 $0x0;
	s1 =	rddreg [dreg:$0xe]  }
0x14: {  	[tilespmem:s0], [sflag:$0x2] =	stream.linear.gather [hbm4b:s1+s0], $0xC80, $0x38;
	[tilespmem:$0x3380] =	vst v63  }
0x15: {  	s30 =	rddreg [dreg:$0xf];
	s31 =	simm.s32 $0xC80  }
0x16: {  	[tilespmem:s31], [sflag:$0x2] =	stream.linear.gather [hbm4b:s30+s0], $0xC80, $0x38;
	[tilespmem:$0x3380] =	vst v63  }
0x17: {  	[tilespmem:$0x2900] =	vst v4  }
0x18: {  	[tilespmem:$0x2910] =	vst v4  }
0x19: {  	[tilespmem:$0x2920] =	vst v4  }
0x1a: {  	[tilespmem:$0x2930] =	vst v4  }
0x1b: {  	[tilespmem:$0x2940] =	vst v4  }
0x1c: {  	[tilespmem:$0x2950] =	vst v4  }
0x1d: {  	[tilespmem:$0x2960] =	vst v4  }
0x1e: {  	[dreg:$0x14] =	wrdreg s2;
	s1 =	simm.s32 $0x0;
	s0 =	simm.s32 $0x40;
	[tilespmem:$0x2970] =	vst v4  }
.LBB2_2:
0x1f: {  	p1 =	sne.s32 s0, $0x13C0;
	[tilespmem:s1+$0x2980] =	vst v5;
	s1 =	smov.u32 s0;
	s0 =	sadd.s32 $0x40, s0  }
.Ltmp0:
0x20: {  	(pc) =	sbr.rel @p1 .LBB2_2-.Ltmp0, $2  }
0x21: {  	_ =	sdelay $0x2  }
0x22: {  	s1 =	sshra.s32 s1, $0x2  }
0x23: {  	[tilespmem:s1+$0x2980] =	vst v5  }
0x24: {  	s4 =	simm.s32 $0x2980;
	s5 =	simm.s32 $0x3;
	s0 =	rddreg [dreg:$0x10]  }
0x25: {  	[spmem:s0] =	stream.linear.scatter [tilespmem:s4], [sflag:$0x3], $0x500, $0x38;
	[tilespmem:$0x3380] =	vst v63  }
0x26: {  	_ =	swait.ge [sflag:s5], $0x500  }
0x27: {  	[sflag:s5] =	ssyncset.done $0x0  }
0x28: {  	[sflag:s5] =	ssyncadd.s32 $0xFFFFFB00  }
0x29: {  	s6 =	simm.s32 $0x2;
	[bflag:$0x0] =	sbarrier.arrive $0xFFFF  }
0x2a: {  	_ =	swait.ge [sflag:s6], $0xC80  }
0x2b: {  	[sflag:s6] =	ssyncset.done $0x0  }
0x2c: {  	[sflag:s6] =	ssyncadd.s32 $0xFFFFF380  }
0x2d: {  	_ =	swait.ge [sflag:s6], $0xC80  }
0x2e: {  	[sflag:s6] =	ssyncset.done $0x0  }
0x2f: {  	s11 =	simm.s32 $0x40;
	[sflag:s6] =	ssyncadd.s32 $0xFFFFF380  }
0x30: {  	v6 =	vld [tilespmem:s11+$0xFFFFFFC0];
	_ =	sdelay $0x4  }
0x31: {  	v6 =	vsub.f32 $0.0e+00, v6;
	_ =	sdelay $0x1  }
0x32: {  	v6 =	vmul.f32 $1.442695020e+00, v6;
	_ =	sdelay $0x1  }
0x33: {  	(erf) = vpow2.f32 v6;
	_ =	sdelay $0x8  }
0x34: {  	v6 =	vpop (erf)  }
0x35: {  	v6 =	vadd.f32 $1.000000000e+00, v6;
	_ =	sdelay $0x1  }
0x36: {  	(erf) = vrcp.f32 v6;
	_ =	sdelay $0x8  }
0x37: {  	s25 =	simm.s32 $0xCC0;
	v6 =	vpop (erf)  }
0x38: {  	v7 =	vld [tilespmem:s25+$0xFFFFFFC0];
	v6 =	vmul.f32 $1.000000000e+04, v6  }
0x39: {  	s10 =	rddreg [dreg:$0x6]  }
0x3a: {  	s1 =	sadd.s32 $0x0, s10;
	v6 =	vtrunc.f32 v6  }
0x3b: {  	v8 =	vadd.s32 s1, v0;
	v6 =	vcvt.f32.s32 v6  }
0x3c: {  	vm0 =	vge.u32 v8, v2  }
0x3d: {  	vm1 =	vlt.u32 v8, v3;
	vm2 =	vge.f32 v7, $5.000000000e-01;
	v7 =	vadd.s32 $0x2800, v6  }
0x3e: {  	s16 =	simm.s32 $0xC0;
	vm0 =	vmand vm0, vm1;
	v6 =	vsel vm2, v7, v6  }
0x3f: {  	s18 =	simm.s32 $0x1900;
	v7 =	vld [tilespmem:s16+$0xFFFFFFC0];
	v6 =	vsel vm0, v6, v1  }
0x40: {  	[tilespmem:s18+$0x0] =	vst v6  }
0x41: {  	v6 =	vld [tilespmem:s11+$0xFFFFFFD0];
	_ =	sdelay $0x2  }
0x42: {  	v7 =	vsub.f32 $0.0e+00, v7;
	_ =	sdelay $0x1  }
0x43: {  	v7 =	vmul.f32 $1.442695020e+00, v7;
	v6 =	vsub.f32 $0.0e+00, v6;
	_ =	sdelay $0x1  }
0x44: {  	(erf) = vpow2.f32 v7;
	v6 =	vmul.f32 $1.442695020e+00, v6;
	_ =	sdelay $0x1  }
0x45: {  	(erf) = vpow2.f32 v6;
	_ =	sdelay $0x6  }
0x46: {  	v6 =	vpop (erf)  }
0x47: {  	v6 =	vadd.f32 $1.000000000e+00, v6  }
0x48: {  	v7 =	vpop (erf)  }
0x49: {  	(erf) = vrcp.f32 v6;
	v6 =	vadd.f32 $1.000000000e+00, v7;
	_ =	sdelay $0x1  }
0x4a: {  	(erf) = vrcp.f32 v6;
	_ =	sdelay $0x3  }
0x4b: {  	s7 =	simm.s32 $0x140  }
0x4c: {  	s5 =	simm.s32 $0xD40;
	v6 =	vld [tilespmem:s7+$0xFFFFFFC0]  }
0x4d: {  	v9 =	vld [tilespmem:s5+$0xFFFFFFC0]  }
0x4e: {  	s15 =	sadd.s32 $0x80, s10;
	v7 =	vpop (erf)  }
0x4f: {  	s8 =	sadd.s32 $0x10, s1;
	v8 =	vadd.s32 s15, v0;
	v7 =	vmul.f32 $1.000000000e+04, v7  }
0x50: {  	v10 =	vadd.s32 s8, v0;
	vm1 =	vlt.u32 v8, v3;
	v11 =	vpop (erf)  }
0x51: {  	v12 =	vld [tilespmem:s25+$0xFFFFFFD0];
	v6 =	vsub.f32 $0.0e+00, v6;
	v7 =	vtrunc.f32 v7;
	v11 =	vmul.f32 $1.000000000e+04, v11  }
0x52: {  	vm3 =	vlt.u32 v10, v3;
	vm4 =	vge.f32 v9, $5.000000000e-01;
	v7 =	vcvt.f32.s32 v7  }
0x53: {  	vm0 =	vge.u32 v8, v2;
	v6 =	vmul.f32 $1.442695020e+00, v6;
	v8 =	vtrunc.f32 v11  }
0x54: {  	vm2 =	vge.u32 v10, v2;
	v9 =	vadd.s32 $0x2800, v7;
	v8 =	vcvt.f32.s32 v8  }
0x55: {  	vm0 =	vmand vm0, vm1;
	(erf) = vpow2.f32 v6;
	v6 =	vsel vm4, v9, v7  }
0x56: {  	s23 =	simm.s32 $0x1980;
	v6 =	vsel vm0, v6, v1;
	vm0 =	vge.f32 v12, $5.000000000e-01;
	v7 =	vadd.s32 $0x2800, v8  }
0x57: {  	vm1 =	vmand vm2, vm3;
	[tilespmem:s23+$0x0] =	vst v6;
	v6 =	vsel vm0, v7, v8  }
0x58: {  	v7 =	vld [tilespmem:s16+$0xFFFFFFD0];
	v6 =	vsel vm1, v6, v1  }
0x59: {  	[tilespmem:s18+$0x10] =	vst v6  }
0x5a: {  	v6 =	vld [tilespmem:s11+$0xFFFFFFE0];
	_ =	sdelay $0x2  }
0x5b: {  	v7 =	vsub.f32 $0.0e+00, v7;
	_ =	sdelay $0x1  }
0x5c: {  	v8 =	vpop (erf);
	v7 =	vmul.f32 $1.442695020e+00, v7;
	v6 =	vsub.f32 $0.0e+00, v6  }
0x5d: {  	v8 =	vadd.f32 $1.000000000e+00, v8  }
0x5e: {  	(erf) = vpow2.f32 v7;
	v6 =	vmul.f32 $1.442695020e+00, v6  }
0x5f: {  	(erf) = vrcp.f32 v8  }
0x60: {  	(erf) = vpow2.f32 v6;
	_ =	sdelay $0x6  }
0x61: {  	v6 =	vpop (erf)  }
0x62: {  	v7 =	vpop (erf)  }
0x63: {  	v6 =	vadd.f32 $1.000000000e+00, v6;
	v8 =	vpop (erf)  }
0x64: {  	v8 =	vadd.f32 $1.000000000e+00, v8  }
0x65: {  	(erf) = vrcp.f32 v6  }
0x66: {  	(erf) = vrcp.f32 v8  }
0x67: {  	s9 =	simm.s32 $0x1C0  }
0x68: {  	v6 =	vld [tilespmem:s9+$0xFFFFFFC0];
	_ =	sdelay $0x1  }
0x69: {  	s26 =	sadd.s32 $0x100, s10;
	s2 =	sadd.s32 $0x10, s15  }
0x6a: {  	s12 =	sadd.s32 $0x20, s1;
	v10 =	vadd.s32 s2, v0;
	s7 =	simm.s32 $0xDC0;
	v8 =	vadd.s32 s26, v0  }
0x6b: {  	vm5 =	vlt.u32 v10, v3;
	v11 =	vld [tilespmem:s7+$0xFFFFFFC0];
	v9 =	vadd.s32 s12, v0;
	v7 =	vmul.f32 $1.000000000e+04, v7  }
0x6c: {  	vm4 =	vge.u32 v10, v2;
	vm2 =	vge.u32 v9, v2;
	v6 =	vsub.f32 $0.0e+00, v6  }
0x6d: {  	v7 =	vtrunc.f32 v7;
	vm0 =	vge.u32 v8, v2;
	vm1 =	vlt.u32 v8, v3;
	v8 =	vpop (erf)  }
0x6e: {  	vm3 =	vlt.u32 v9, v3;
	v9 =	vld [tilespmem:s5+$0xFFFFFFD0];
	v6 =	vmul.f32 $1.442695020e+00, v6;
	v8 =	vmul.f32 $1.000000000e+04, v8;
	v10 =	vpop (erf)  }
0x6f: {  	v28 =	vld [tilespmem:s25+$0xFFFFFFE0];
	v7 =	vcvt.f32.s32 v7;
	vm0 =	vmand vm0, vm1;
	v10 =	vmul.f32 $1.000000000e+04, v10  }
0x70: {  	vm1 =	vge.f32 v11, $5.000000000e-01;
	(erf) = vpow2.f32 v6;
	v6 =	vtrunc.f32 v8  }
0x71: {  	v8 =	vadd.s32 $0x2800, v7;
	v6 =	vcvt.f32.s32 v6;
	v10 =	vtrunc.f32 v10  }
0x72: {  	v7 =	vsel vm1, v8, v7;
	vm1 =	vmand vm4, vm5;
	v8 =	vcvt.f32.s32 v10  }
0x73: {  	s29 =	simm.s32 $0x1A00;
	v7 =	vsel vm0, v7, v1;
	vm0 =	vge.f32 v9, $5.000000000e-01;
	v9 =	vadd.s32 $0x2800, v6  }
0x74: {  	s3 =	simm.s32 $0x140;
	[tilespmem:s29+$0x0] =	vst v7;
	v6 =	vsel vm0, v9, v6;
	vm0 =	vge.f32 v28, $5.000000000e-01;
	v7 =	vadd.s32 $0x2800, v8  }
0x75: {  	vm2 =	vmand vm2, vm3;
	v9 =	vld [tilespmem:s3+$0xFFFFFFD0];
	v6 =	vsel vm1, v6, v1;
	v7 =	vsel vm0, v7, v8  }
0x76: {  	[tilespmem:s23+$0x10] =	vst v6;
	v6 =	vsel vm2, v7, v1  }
0x77: {  	v7 =	vld [tilespmem:s16+$0xFFFFFFE0];
	[tilespmem:s18+$0x20] =	vst v6  }
0x78: {  	v6 =	vld [tilespmem:s11+$0xFFFFFFF0];
	_ =	sdelay $0x1  }
0x79: {  	v8 =	vsub.f32 $0.0e+00, v9;
	_ =	sdelay $0x1  }
0x7a: {  	v9 =	vpop (erf);
	v8 =	vmul.f32 $1.442695020e+00, v8;
	v7 =	vsub.f32 $0.0e+00, v7  }
0x7b: {  	v9 =	vadd.f32 $1.000000000e+00, v9;
	v6 =	vsub.f32 $0.0e+00, v6  }
0x7c: {  	(erf) = vpow2.f32 v8;
	v7 =	vmul.f32 $1.442695020e+00, v7  }
0x7d: {  	(erf) = vrcp.f32 v9;
	v6 =	vmul.f32 $1.442695020e+00, v6  }
0x7e: {  	(erf) = vpow2.f32 v7  }
0x7f: {  	(erf) = vpow2.f32 v6;
	_ =	sdelay $0x5  }
0x80: {  	v6 =	vpop (erf)  }
0x81: {  	v7 =	vpop (erf)  }
0x82: {  	v6 =	vadd.f32 $1.000000000e+00, v6;
	v8 =	vpop (erf)  }
0x83: {  	v8 =	vadd.f32 $1.000000000e+00, v8;
	v9 =	vpop (erf)  }
0x84: {  	(erf) = vrcp.f32 v6;
	v6 =	vadd.f32 $1.000000000e+00, v9  }
0x85: {  	(erf) = vrcp.f32 v8  }
0x86: {  	(erf) = vrcp.f32 v6;
	_ =	sdelay $0x3  }
0x87: {  	s13 =	simm.s32 $0x240;
	s24 =	sadd.s32 $0x180, s10;
	s17 =	sadd.s32 $0x30, s1  }
0x88: {  	s14 =	sadd.s32 $0x20, s15;
	s9 =	simm.s32 $0xE40;
	v10 =	vadd.s32 s17, v0;
	v8 =	vadd.s32 s24, v0;
	v6 =	vld [tilespmem:s13+$0xFFFFFFC0]  }
0x89: {  	s20 =	sadd.s32 $0x10, s26;
	v9 =	vadd.s32 s14, v0;
	vm2 =	vge.u32 v8, v2;
	vm3 =	vlt.u32 v8, v3;
	v8 =	vld [tilespmem:s9+$0xFFFFFFC0]  }
0x8a: {  	v11 =	vadd.s32 s20, v0;
	v7 =	vmul.f32 $1.000000000e+04, v7;
	v29 =	vpop (erf)  }
0x8b: {  	vm6 =	vge.u32 v11, v2;
	vm4 =	vge.u32 v10, v2;
	vm5 =	vlt.u32 v10, v3;
	v10 =	vpop (erf)  }
0x8c: {  	v7 =	vtrunc.f32 v7;
	vm0 =	vge.u32 v9, v2;
	vm1 =	vlt.u32 v9, v3;
	v9 =	vpop (erf)  }
0x8d: {  	v13 =	vld [tilespmem:s25+$0xFFFFFFF0];
	v7 =	vcvt.f32.s32 v7;
	v6 =	vsub.f32 $0.0e+00, v6;
	v9 =	vmul.f32 $1.000000000e+04, v9  }
0x8e: {  	vm2 =	vmand vm2, vm3;
	vm3 =	vmand vm4, vm5;
	vm4 =	vge.f32 v8, $5.000000000e-01  }
0x8f: {  	v8 =	vadd.s32 $0x2800, v7;
	v6 =	vmul.f32 $1.442695020e+00, v6;
	v9 =	vtrunc.f32 v9  }
0x90: {  	v12 =	vmul.f32 $1.000000000e+04, v29;
	v7 =	vsel vm4, v8, v7;
	v8 =	vld [tilespmem:s7+$0xFFFFFFD0];
	v9 =	vcvt.f32.s32 v9  }
0x91: {  	v10 =	vmul.f32 $1.000000000e+04, v10;
	(erf) = vpow2.f32 v6;
	v6 =	vsel vm2, v7, v1;
	v7 =	vld [tilespmem:s5+$0xFFFFFFE0]  }
0x92: {  	s3 =	simm.s32 $0x1A80;
	v12 =	vtrunc.f32 v12;
	vm2 =	vge.f32 v13, $5.000000000e-01;
	v30 =	vadd.s32 $0x2800, v9  }
0x93: {  	s4 =	simm.s32 $0x1C0;
	v12 =	vcvt.f32.s32 v12;
	v10 =	vtrunc.f32 v10;
	[tilespmem:s3+$0x0] =	vst v6;
	v6 =	vsel vm2, v30, v9  }
0x94: {  	vm2 =	vlt.u32 v11, v3;
	v9 =	vcvt.f32.s32 v10;
	v10 =	vld [tilespmem:s4+$0xFFFFFFD0];
	v6 =	vsel vm3, v6, v1  }
0x95: {  	vm2 =	vmand vm6, vm2;
	vm3 =	vge.f32 v8, $5.000000000e-01;
	v8 =	vadd.s32 $0x2800, v12;
	[tilespmem:s18+$0x30] =	vst v6  }
0x96: {  	v6 =	vsel vm3, v8, v12;
	vm3 =	vge.f32 v7, $5.000000000e-01;
	v7 =	vadd.s32 $0x2800, v9;
	v8 =	vld [tilespmem:s11+$0x0]  }
0x97: {  	vm0 =	vmand vm0, vm1;
	v6 =	vsel vm2, v6, v1;
	v7 =	vsel vm3, v7, v9  }
0x98: {  	[tilespmem:s29+$0x10] =	vst v6;
	v6 =	vsel vm0, v7, v1  }
0x99: {  	s12 =	simm.s32 $0x140;
	[tilespmem:s23+$0x20] =	vst v6;
	v6 =	vsub.f32 $0.0e+00, v10  }
0x9a: {  	v7 =	vld [tilespmem:s12+$0xFFFFFFE0]  }
0x9b: {  	v10 =	vpop (erf);
	v9 =	vld [tilespmem:s16+$0xFFFFFFF0];
	v6 =	vmul.f32 $1.442695020e+00, v6;
	v8 =	vsub.f32 $0.0e+00, v8  }
0x9c: {  	v10 =	vadd.f32 $1.000000000e+00, v10  }
0x9d: {  	(erf) = vpow2.f32 v6;
	v6 =	vmul.f32 $1.442695020e+00, v8  }
0x9e: {  	(erf) = vrcp.f32 v10  }
0x9f: {  	v7 =	vsub.f32 $0.0e+00, v7;
	(erf) = vpow2.f32 v6  }
0xa0: {  	v8 =	vsub.f32 $0.0e+00, v9  }
0xa1: {  	v6 =	vmul.f32 $1.442695020e+00, v7  }
0xa2: {  	v7 =	vmul.f32 $1.442695020e+00, v8  }
0xa3: {  	(erf) = vpow2.f32 v6  }
0xa4: {  	(erf) = vpow2.f32 v7;
	_ =	sdelay $0x1  }
0xa5: {  	v6 =	vpop (erf)  }
0xa6: {  	v7 =	vpop (erf)  }
0xa7: {  	v6 =	vadd.f32 $1.000000000e+00, v6;
	v8 =	vpop (erf)  }
0xa8: {  	v8 =	vadd.f32 $1.000000000e+00, v8;
	_ =	sdelay $0x1  }
0xa9: {  	s20 =	simm.s32 $0x2C0;
	(erf) = vrcp.f32 v6  }
0xaa: {  	v31 =	vld [tilespmem:s20+$0xFFFFFFC0];
	v6 =	vpop (erf);
	(erf) = vrcp.f32 v8  }
0xab: {  	v6 =	vadd.f32 $1.000000000e+00, v6;
	v8 =	vpop (erf)  }
0xac: {  	s17 =	sadd.s32 $0x10, s24;
	v8 =	vadd.f32 $1.000000000e+00, v8  }
0xad: {  	v11 =	vadd.s32 s17, v0;
	(erf) = vrcp.f32 v6  }
0xae: {  	s5 =	sadd.s32 $0x40, s1;
	vm4 =	vlt.u32 v11, v3;
	(erf) = vrcp.f32 v8  }
0xaf: {  	s0 =	sadd.s32 $0x200, s10;
	s14 =	sadd.s32 $0x30, s15;
	s13 =	sadd.s32 $0x20, s26;
	vm2 =	vge.u32 v11, v2;
	v11 =	vsub.f32 $0.0e+00, v31;
	v8 =	vadd.s32 s5, v0  }
0xb0: {  	v10 =	vadd.s32 s14, v0;
	v9 =	vadd.s32 s13, v0;
	v6 =	vadd.s32 s0, v0  }
0xb1: {  	s3 =	simm.s32 $0xEC0;
	vm7 =	vge.u32 v10, v2;
	v7 =	vmul.f32 $1.000000000e+04, v7;
	vm3 =	vge.u32 v6, v2  }
0xb2: {  	vm5 =	vlt.u32 v6, v3;
	v6 =	vld [tilespmem:s3+$0xFFFFFFC0];
	vm6 =	vge.u32 v8, v2;
	vm9 =	vlt.u32 v8, v3;
	v8 =	vpop (erf)  }
0xb3: {  	vm0 =	vge.u32 v9, v2;
	vm1 =	vlt.u32 v9, v3;
	v7 =	vtrunc.f32 v7;
	v9 =	vpop (erf)  }
0xb4: {  	vm8 =	vlt.u32 v10, v3;
	v10 =	vld [tilespmem:s25+$0x0];
	v7 =	vcvt.f32.s32 v7;
	v9 =	vmul.f32 $1.000000000e+04, v9  }
0xb5: {  	v11 =	vmul.f32 $1.442695020e+00, v11  }
0xb6: {  	v33 =	vadd.s32 $0x2800, v7;
	vm5 =	vmand vm3, vm5;
	s5 =	simm.s32 $0xD40;
	v32 =	vpop (erf);
	v9 =	vtrunc.f32 v9  }
0xb7: {  	vm3 =	vmand vm7, vm8;
	v14 =	vld [tilespmem:s5+$0xFFFFFFF0];
	vm7 =	vge.f32 v6, $5.000000000e-01;
	v9 =	vcvt.f32.s32 v9;
	v6 =	vpop (erf)  }
0xb8: {  	(erf) = vpow2.f32 v11;
	vm6 =	vmand vm6, vm9;
	v6 =	vmul.f32 $1.000000000e+04, v6  }
0xb9: {  	v7 =	vsel vm7, v33, v7;
	vm7 =	vge.f32 v10, $5.000000000e-01;
	v10 =	vadd.s32 $0x2800, v9  }
0xba: {  	v34 =	vld [tilespmem:s9+$0xFFFFFFD0];
	v8 =	vmul.f32 $1.000000000e+04, v8;
	v9 =	vsel vm7, v10, v9;
	v6 =	vtrunc.f32 v6  }
0xbb: {  	v12 =	vmul.f32 $1.000000000e+04, v32;
	v10 =	vld [tilespmem:s7+$0xFFFFFFE0];
	v9 =	vsel vm6, v9, v1;
	v6 =	vcvt.f32.s32 v6  }
0xbc: {  	s17 =	simm.s32 $0x1B00;
	v7 =	vsel vm5, v7, v1;
	v8 =	vtrunc.f32 v8;
	vm5 =	vge.f32 v14, $5.000000000e-01;
	[tilespmem:s18+$0x40] =	vst v9  }
0xbd: {  	s6 =	simm.s32 $0x240;
	[tilespmem:s17+$0x0] =	vst v7;
	v8 =	vcvt.f32.s32 v8;
	v9 =	vtrunc.f32 v12;
	v35 =	vld [tilespmem:s11+$0x10];
	v11 =	vadd.s32 $0x2800, v6  }
0xbe: {  	vm2 =	vmand vm2, vm4;
	v9 =	vcvt.f32.s32 v9;
	v6 =	vsel vm5, v11, v6;
	v11 =	vld [tilespmem:s6+$0xFFFFFFD0]  }
0xbf: {  	vm4 =	vge.f32 v34, $5.000000000e-01;
	v7 =	vadd.s32 $0x2800, v8;
	v6 =	vsel vm3, v6, v1  }
0xc0: {  	v7 =	vsel vm4, v7, v8;
	v8 =	vadd.s32 $0x2800, v9;
	vm3 =	vge.f32 v10, $5.000000000e-01;
	[tilespmem:s23+$0x30] =	vst v6  }
0xc1: {  	s8 =	simm.s32 $0x1A80;
	vm0 =	vmand vm0, vm1;
	v6 =	vsel vm2, v7, v1;
	v7 =	vsel vm3, v8, v9;
	v8 =	vld [tilespmem:s16+$0x0]  }
0xc2: {  	s4 =	simm.s32 $0x1C0;
	[tilespmem:s8+$0x10] =	vst v6;
	v6 =	vsel vm0, v7, v1;
	v7 =	vsub.f32 $0.0e+00, v35  }
0xc3: {  	s12 =	simm.s32 $0x140;
	v9 =	vld [tilespmem:s4+$0xFFFFFFE0];
	[tilespmem:s29+$0x20] =	vst v6;
	v10 =	vsub.f32 $0.0e+00, v11  }
0xc4: {  	v6 =	vld [tilespmem:s12+$0xFFFFFFF0];
	v7 =	vmul.f32 $1.442695020e+00, v7  }
0xc5: {  	v10 =	vmul.f32 $1.442695020e+00, v10  }
0xc6: {  	v11 =	vpop (erf);
	(erf) = vpow2.f32 v7;
	v8 =	vsub.f32 $0.0e+00, v8  }
0xc7: {  	v7 =	vadd.f32 $1.000000000e+00, v11;
	(erf) = vpow2.f32 v10  }
0xc8: {  	v9 =	vsub.f32 $0.0e+00, v9;
	v8 =	vmul.f32 $1.442695020e+00, v8  }
0xc9: {  	v6 =	vsub.f32 $0.0e+00, v6;
	(erf) = vrcp.f32 v7  }
0xca: {  	v7 =	vmul.f32 $1.442695020e+00, v9;
	(erf) = vpow2.f32 v8  }
0xcb: {  	v6 =	vmul.f32 $1.442695020e+00, v6  }
0xcc: {  	(erf) = vpow2.f32 v7  }
0xcd: {  	(erf) = vpow2.f32 v6;
	_ =	sdelay $0x1  }
0xce: {  	v6 =	vpop (erf)  }
0xcf: {  	v6 =	vadd.f32 $1.000000000e+00, v6;
	v7 =	vpop (erf)  }
0xd0: {  	v7 =	vadd.f32 $1.000000000e+00, v7  }
0xd1: {  	s3 =	sadd.s32 $0x20, s24;
	s12 =	sadd.s32 $0x40, s15;
	v8 =	vpop (erf);
	(erf) = vrcp.f32 v6  }
0xd2: {  	v36 =	vadd.s32 s3, v0;
	s8 =	sadd.s32 $0x50, s1;
	v11 =	vadd.s32 s12, v0;
	s12 =	sadd.s32 $0x10, s0;
	v10 =	vpop (erf)  }
0xd3: {  	v38 =	vadd.s32 s12, v0;
	v9 =	vadd.s32 s8, v0;
	v10 =	vadd.f32 $1.000000000e+00, v10  }
0xd4: {  	s20 =	sadd.s32 $0x280, s10;
	s12 =	simm.s32 $0x340;
	vm3 =	vge.u32 v9, v2;
	vm7 =	vlt.u32 v9, v3;
	(erf) = vrcp.f32 v7;
	v7 =	vpop (erf)  }
0xd5: {  	v9 =	vld [tilespmem:s12+$0xFFFFFFC0];
	v6 =	vadd.s32 s20, v0;
	v15 =	vpop (erf);
	v7 =	vadd.f32 $1.000000000e+00, v7;
	(erf) = vrcp.f32 v10  }
0xd6: {  	s4 =	sadd.s32 $0x30, s26;
	vm0 =	vge.u32 v6, v2;
	vm1 =	vlt.u32 v6, v3;
	v6 =	vadd.f32 $1.000000000e+00, v15  }
0xd7: {  	vm11 =	vge.u32 v36, v2;
	v37 =	vadd.s32 s4, v0;
	(erf) = vrcp.f32 v7  }
0xd8: {  	vm12 =	vlt.u32 v36, v3;
	vm8 =	vge.u32 v37, v2;
	(erf) = vrcp.f32 v6  }
0xd9: {  	s4 =	simm.s32 $0xF40;
	vm9 =	vlt.u32 v37, v3;
	vm6 =	vge.u32 v11, v2;
	vm10 =	vlt.u32 v11, v3;
	v10 =	vld [tilespmem:s25+$0x10]  }
0xda: {  	vm4 =	vge.u32 v38, v2;
	v9 =	vsub.f32 $0.0e+00, v9;
	v7 =	vmul.f32 $1.000000000e+04, v8;
	v6 =	vld [tilespmem:s4+$0xFFFFFFC0];
	v8 =	vpop (erf)  }
0xdb: {  	vm5 =	vlt.u32 v38, v3;
	vm7 =	vmand vm3, vm7;
	v8 =	vmul.f32 $1.000000000e+04, v8  }
0xdc: {  	vm3 =	vmand vm6, vm10;
	v9 =	vmul.f32 $1.442695020e+00, v9;
	vm2 =	vmand vm0, vm1  }
0xdd: {  	vm1 =	vmand vm8, vm9;
	v7 =	vtrunc.f32 v7;
	v11 =	vpop (erf);
	v8 =	vtrunc.f32 v8  }
0xde: {  	v40 =	vld [tilespmem:s5+$0x0];
	v7 =	vcvt.f32.s32 v7;
	vm8 =	vge.f32 v10, $5.000000000e-01;
	v8 =	vcvt.f32.s32 v8;
	v39 =	vpop (erf)  }
0xdf: {  	v11 =	vmul.f32 $1.000000000e+04, v11;
	vm6 =	vge.f32 v6, $5.000000000e-01;
	v12 =	vmul.f32 $1.000000000e+04, v39  }
0xe0: {  	s2 =	simm.s32 $0xEC0;
	v6 =	vadd.s32 $0x2800, v7;
	(erf) = vpow2.f32 v9;
	v10 =	vadd.s32 $0x2800, v8;
	v9 =	vpop (erf)  }
0xe1: {  	v6 =	vsel vm6, v6, v7;
	v7 =	vld [tilespmem:s2+$0xFFFFFFD0];
	v8 =	vsel vm8, v10, v8;
	v41 =	vpop (erf);
	v12 =	vtrunc.f32 v12  }
0xe2: {  	v10 =	vld [tilespmem:s7+$0xFFFFFFF0];
	v8 =	vsel vm7, v8, v1;
	v14 =	vmul.f32 $1.000000000e+04, v41;
	v12 =	vcvt.f32.s32 v12  }
0xe3: {  	vm4 =	vmand vm4, vm5;
	vm5 =	vge.f32 v40, $5.000000000e-01;
	v11 =	vtrunc.f32 v11;
	[tilespmem:s18+$0x50] =	vst v8  }
0xe4: {  	v9 =	vmul.f32 $1.000000000e+04, v9;
	v43 =	vld [tilespmem:s11+$0x20];
	v8 =	vtrunc.f32 v14;
	v42 =	vadd.s32 $0x2800, v12  }
0xe5: {  	v44 =	vld [tilespmem:s9+$0xFFFFFFE0];
	v6 =	vsel vm2, v6, v1;
	v8 =	vcvt.f32.s32 v8;
	v12 =	vsel vm5, v42, v12  }
0xe6: {  	v11 =	vcvt.f32.s32 v11;
	v9 =	vtrunc.f32 v9;
	v12 =	vsel vm3, v12, v1  }
0xe7: {  	s3 =	simm.s32 $0x1B80;
	vm2 =	vge.f32 v10, $5.000000000e-01;
	vm3 =	vge.f32 v7, $5.000000000e-01;
	v10 =	vadd.s32 $0x2800, v8;
	[tilespmem:s23+$0x40] =	vst v12  }
0xe8: {  	[tilespmem:s3+$0x0] =	vst v6;
	v7 =	vcvt.f32.s32 v9;
	v9 =	vadd.s32 $0x2800, v11;
	v6 =	vsel vm2, v10, v8;
	v8 =	vld [tilespmem:s16+$0x10]  }
0xe9: {  	v9 =	vsel vm3, v9, v11;
	v45 =	vsub.f32 $0.0e+00, v43;
	v6 =	vsel vm1, v6, v1  }
0xea: {  	s13 =	simm.s32 $0x2C0;
	v11 =	vadd.s32 $0x2800, v7;
	vm1 =	vge.f32 v44, $5.000000000e-01;
	[tilespmem:s29+$0x30] =	vst v6;
	v6 =	vsel vm4, v9, v1  }
0xeb: {  	s14 =	simm.s32 $0x240;
	vm0 =	vmand vm11, vm12;
	v10 =	vld [tilespmem:s13+$0xFFFFFFD0];
	v7 =	vsel vm1, v11, v7;
	[tilespmem:s17+$0x10] =	vst v6  }
0xec: {  	s28 =	simm.s32 $0x1A80;
	s31 =	simm.s32 $0x140;
	v11 =	vmul.f32 $1.442695020e+00, v45;
	v6 =	vsel vm0, v7, v1;
	v7 =	vld [tilespmem:s14+$0xFFFFFFE0]  }
0xed: {  	v9 =	vld [tilespmem:s31+$0x0];
	[tilespmem:s28+$0x20] =	vst v6;
	v6 =	vsub.f32 $0.0e+00, v8  }
0xee: {  	(erf) = vpow2.f32 v11  }
0xef: {  	v6 =	vmul.f32 $1.442695020e+00, v6  }
0xf0: {  	v10 =	vsub.f32 $0.0e+00, v10  }
0xf1: {  	s30 =	simm.s32 $0x1C0;
	(erf) = vpow2.f32 v6;
	v6 =	vsub.f32 $0.0e+00, v7  }
0xf2: {  	v8 =	vld [tilespmem:s30+$0xFFFFFFF0];
	v11 =	vpop (erf);
	v10 =	vmul.f32 $1.442695020e+00, v10;
	v9 =	vsub.f32 $0.0e+00, v9  }
0xf3: {  	v11 =	vadd.f32 $1.000000000e+00, v11;
	v6 =	vmul.f32 $1.442695020e+00, v6  }
0xf4: {  	(erf) = vpow2.f32 v10;
	v7 =	vmul.f32 $1.442695020e+00, v9  }
0xf5: {  	(erf) = vrcp.f32 v11  }
0xf6: {  	(erf) = vpow2.f32 v7  }
0xf7: {  	v8 =	vsub.f32 $0.0e+00, v8;
	(erf) = vpow2.f32 v6;
	v6 =	vpop (erf)  }
0xf8: {  	v6 =	vadd.f32 $1.000000000e+00, v6  }
0xf9: {  	s14 =	sadd.s32 $0x60, s1;
	v7 =	vmul.f32 $1.442695020e+00, v8  }
0xfa: {  	v9 =	vadd.s32 s14, v0  }
0xfb: {  	s6 =	sadd.s32 $0x40, s26;
	s13 =	sadd.s32 $0x50, s15;
	(erf) = vpow2.f32 v7  }
0xfc: {  	v10 =	vadd.s32 s6, v0;
	s14 =	sadd.s32 $0x30, s24;
	v8 =	vadd.s32 s13, v0;
	(erf) = vrcp.f32 v6;
	v6 =	vpop (erf)  }
0xfd: {  	v11 =	vadd.s32 s14, v0;
	vm1 =	vge.u32 v9, v2;
	vm8 =	vlt.u32 v9, v3;
	v9 =	vpop (erf)  }
0xfe: {  	vm0 =	vge.u32 v10, v2;
	s13 =	sadd.s32 $0x20, s0;
	vm7 =	vge.u32 v8, v2;
	v9 =	vadd.f32 $1.000000000e+00, v9  }
0xff: {  	s14 =	sadd.s32 $0x10, s20;
	vm9 =	vlt.u32 v8, v3;
	v7 =	vadd.s32 s13, v0;
	v6 =	vadd.f32 $1.000000000e+00, v6;
	v8 =	vpop (erf)  }
0x100: {  	vm11 =	vlt.u32 v10, v3;
	v47 =	vadd.s32 s14, v0;
	vm12 =	vge.u32 v7, v2;
	v10 =	vpop (erf)  }
0x101: {  	s6 =	sadd.s32 $0x300, s10;
	s14 =	simm.s32 $0x3C0;
	vm13 =	vlt.u32 v7, v3;
	(erf) = vrcp.f32 v6;
	v7 =	vadd.f32 $1.000000000e+00, v10  }
0x102: {  	v46 =	vadd.s32 s6, v0;
	v6 =	vld [tilespmem:s14+$0xFFFFFFC0];
	(erf) = vrcp.f32 v9;
	v9 =	vpop (erf)  }
0x103: {  	vm2 =	vge.u32 v46, v2;
	v9 =	vadd.f32 $1.000000000e+00, v9  }
0x104: {  	vm5 =	vlt.u32 v46, v3;
	s13 =	simm.s32 $0xFC0;
	v8 =	vmul.f32 $1.000000000e+04, v8;
	(erf) = vrcp.f32 v7  }
0x105: {  	vm4 =	vge.u32 v11, v2;
	vm10 =	vlt.u32 v11, v3;
	vm3 =	vge.u32 v47, v2;
	v10 =	vld [tilespmem:s13+$0xFFFFFFC0];
	v7 =	vpop (erf)  }
0x106: {  	vm6 =	vlt.u32 v47, v3;
	v8 =	vtrunc.f32 v8;
	v7 =	vadd.f32 $1.000000000e+00, v7  }
0x107: {  	v8 =	vcvt.f32.s32 v8;
	v6 =	vsub.f32 $0.0e+00, v6;
	(erf) = vrcp.f32 v9;
	v9 =	vpop (erf)  }
0x108: {  	vm5 =	vmand vm2, vm5;
	(erf) = vrcp.f32 v7;
	v7 =	vld [tilespmem:s25+$0x20];
	v9 =	vmul.f32 $1.000000000e+04, v9  }
0x109: {  	vm2 =	vmand vm7, vm9;
	vm7 =	vmand vm1, vm8;
	v6 =	vmul.f32 $1.442695020e+00, v6  }
0x10a: {  	v11 =	vld [tilespmem:s4+$0xFFFFFFD0];
	vm8 =	vge.f32 v10, $5.000000000e-01;
	v10 =	vadd.s32 $0x2800, v8;
	v9 =	vtrunc.f32 v9  }
0x10b: {  	v48 =	vpop (erf);
	(erf) = vpow2.f32 v6;
	v6 =	vsel vm8, v10, v8;
	v8 =	vld [tilespmem:s5+$0x10];
	v9 =	vcvt.f32.s32 v9  }
0x10c: {  	vm1 =	vmand vm4, vm10;
	vm4 =	vmand vm0, vm11;
	v10 =	vmul.f32 $1.000000000e+04, v48;
	v49 =	vpop (erf)  }
0x10d: {  	vm3 =	vmand vm3, vm6;
	v50 =	vpop (erf);
	vm6 =	vge.f32 v7, $5.000000000e-01;
	v7 =	vadd.s32 $0x2800, v9  }
0x10e: {  	v10 =	vtrunc.f32 v10;
	v13 =	vmul.f32 $1.000000000e+04, v50;
	v7 =	vsel vm6, v7, v9;
	v9 =	vld [tilespmem:s7+$0x0]  }
0x10f: {  	v6 =	vsel vm5, v6, v1;
	vm5 =	vge.f32 v11, $5.000000000e-01;
	v10 =	vcvt.f32.s32 v10  }
0x110: {  	v12 =	vmul.f32 $1.000000000e+04, v49;
	v11 =	vpop (erf);
	s7 =	simm.s32 $0x1900;
	v13 =	vtrunc.f32 v13;
	vm6 =	vge.f32 v8, $5.000000000e-01  }
0x111: {  	v8 =	vadd.s32 $0x2800, v10;
	v7 =	vsel vm7, v7, v1;
	[dreg:$0x5] =	wrdreg s7;
	v13 =	vcvt.f32.s32 v13;
	v51 =	vpop (erf)  }
0x112: {  	v8 =	vsel vm6, v8, v10;
	v11 =	vmul.f32 $1.000000000e+04, v11;
	v52 =	vld [tilespmem:s9+$0xFFFFFFF0];
	v14 =	vmul.f32 $1.000000000e+04, v51  }
0x113: {  	[tilespmem:s18+$0x60] =	vst v7;
	v8 =	vsel vm2, v8, v1;
	vm2 =	vge.f32 v9, $5.000000000e-01;
	v9 =	vadd.s32 $0x2800, v13  }
0x114: {  	v12 =	vtrunc.f32 v12;
	v7 =	vld [tilespmem:s11+$0x30];
	[tilespmem:s23+$0x50] =	vst v8;
	s11 =	simm.s32 $0xC0;
	v14 =	vtrunc.f32 v14;
	v9 =	vsel vm2, v9, v13  }
0x115: {  	v53 =	vld [tilespmem:s2+$0xFFFFFFE0];
	v8 =	vtrunc.f32 v11;
	[dreg:$0xc] =	wrdreg s11;
	v11 =	vcvt.f32.s32 v14;
	v9 =	vsel vm4, v9, v1  }
0x116: {  	v10 =	vcvt.f32.s32 v12;
	s18 =	simm.s32 $0x1C00;
	[tilespmem:s29+$0x40] =	vst v9  }
0x117: {  	v8 =	vcvt.f32.s32 v8;
	v54 =	vld [tilespmem:s16+$0x20];
	s16 =	simm.s32 $0x1C00;
	vm2 =	vge.f32 v52, $5.000000000e-01;
	v56 =	vadd.s32 $0x2800, v11;
	[dreg:$0xd] =	wrdreg s18  }
0x118: {  	s8 =	simm.s32 $0x140;
	v55 =	vadd.s32 $0x2800, v10;
	v9 =	vsel vm2, v56, v11;
	[tilespmem:s16+$0x0] =	vst v6;
	s16 =	simm.s32 $0x340  }
0x119: {  	s28 =	simm.s32 $0x1A80;
	v57 =	vadd.s32 $0x2800, v8;
	v6 =	vsel vm5, v55, v10;
	v10 =	vld [tilespmem:s8+$0x10];
	v9 =	vsel vm1, v9, v1;
	[dreg:$0xa] =	wrdreg s16  }
0x11a: {  	vm4 =	vge.f32 v53, $5.000000000e-01;
	v7 =	vsub.f32 $0.0e+00, v7;
	v6 =	vsel vm3, v6, v1;
	[tilespmem:s28+$0x30] =	vst v9  }
0x11b: {  	vm0 =	vmand vm12, vm13;
	v8 =	vsel vm4, v57, v8;
	s18 =	simm.s32 $0x1C0;
	v11 =	vld [tilespmem:s12+$0xFFFFFFD0];
	[tilespmem:s3+$0x10] =	vst v6  }
0x11c: {  	v8 =	vsel vm0, v8, v1;
	v7 =	vmul.f32 $1.442695020e+00, v7;
	v58 =	vld [tilespmem:s18+$0x0];
	[dreg:$0x9] =	wrdreg s26  }
0x11d: {  	s1 =	sadd.s32 $0x70, s1;
	v9 =	vsub.f32 $0.0e+00, v54;
	s12 =	simm.s32 $0x2C0;
	[tilespmem:s17+$0x20] =	vst v8  }
0x11e: {  	v63 =	vimm.s32 $0x0;
	v59 =	vadd.s32 s1, v0;
	(erf) = vpow2.f32 v7;
	v60 =	vld [tilespmem:s12+$0xFFFFFFE0];
	s12 =	simm.s32 $0x240;
	[dreg:$0x7] =	wrdreg s15  }
0x11f: {  	vm8 =	vlt.u32 v59, v3;
	v18 =	vpop (erf);
	v9 =	vmul.f32 $1.442695020e+00, v9;
	v17 =	vsub.f32 $0.0e+00, v10;
	v16 =	vld [tilespmem:s12+$0xFFFFFFF0]  }
0x120: {  	v18 =	vadd.f32 $1.000000000e+00, v18;
	vm0 =	vge.u32 v59, v2;
	s3 =	sadd.s32 $0x50, s26;
	v11 =	vsub.f32 $0.0e+00, v11  }
0x121: {  	v6 =	vadd.s32 s3, v0;
	s18 =	sadd.s32 $0x60, s15;
	s26 =	sadd.s32 $0x40, s24;
	(erf) = vpow2.f32 v9;
	v17 =	vmul.f32 $1.442695020e+00, v17  }
0x122: {  	v61 =	vadd.s32 s18, v0;
	v7 =	vadd.s32 s26, v0;
	v11 =	vmul.f32 $1.442695020e+00, v11  }
0x123: {  	s31 =	simm.s32 $0xDC0;
	v12 =	vsub.f32 $0.0e+00, v58;
	v14 =	vsub.f32 $0.0e+00, v60;
	(erf) = vpow2.f32 v17  }
0x124: {  	s30 =	simm.s32 $0xE40;
	s7 =	simm.s32 $0x1B80;
	s18 =	sadd.s32 $0x20, s20;
	vm6 =	vge.u32 v6, v2;
	(erf) = vpow2.f32 v11;
	v11 =	vsub.f32 $0.0e+00, v16  }
0x125: {  	s9 =	simm.s32 $0x1A00;
	s11 =	simm.s32 $0x140;
	s26 =	sadd.s32 $0x380, s10;
	v8 =	vadd.s32 s18, v0;
	v12 =	vmul.f32 $1.442695020e+00, v12;
	v14 =	vmul.f32 $1.442695020e+00, v14  }
0x126: {  	s29 =	simm.s32 $0x1A80;
	s8 =	simm.s32 $0x400;
	s16 =	simm.s32 $0x1C0;
	v19 =	vadd.s32 s26, v0;
	(erf) = vrcp.f32 v18;
	v11 =	vmul.f32 $1.442695020e+00, v11  }
0x127: {  	s28 =	smov.u32 s0;
	s17 =	smov.u32 s24;
	s24 =	sadd.s32 $0x10, s6;
	vm4 =	vge.u32 v61, v2;
	vm5 =	vlt.u32 v61, v3;
	v62 =	vpop (erf);
	(erf) = vpow2.f32 v12  }
0x128: {  	s0 =	simm.s32 $0x2C0;
	s3 =	simm.s32 $0x1B00;
	s10 =	simm.s32 $0xFC0;
	v9 =	vadd.s32 s24, v0;
	v12 =	vadd.f32 $1.000000000e+00, v62;
	(erf) = vpow2.f32 v14  }
0x129: {  	s15 =	simm.s32 $0x240;
	[dreg:$0x8] =	wrdreg s20;
	s20 =	sadd.s32 $0x30, s28;
	vm2 =	vge.u32 v19, v2;
	v14 =	vsel vm0, $0xFFFFFFFF, v63;
	(erf) = vpow2.f32 v11  }
0x12a: {  	s18 =	simm.s32 $0x3C0;
	s12 =	smov.u32 s6;
	[dreg:$0xb] =	wrdreg s26;
	vm3 =	vlt.u32 v19, v3;
	v10 =	vadd.s32 s20, v0;
	[tilespmem:$0x1FFF0] =	vst v14;
	(erf) = vrcp.f32 v12;
	v11 =	vpop (erf)  }
.LBB2_4:
0x12b: {  	vm9 =	vge.u32 v9, v2;
	vm10 =	vlt.u32 v9, v3;
	v9 =	vld [tilespmem:$0x1FFF0]  }
0x12c: {  	s14 =	sadd.s32 $0x80, s14;
	vm13 =	vge.u32 v7, v2;
	vm14 =	vlt.u32 v6, v3;
	v12 =	vadd.f32 $1.000000000e+00, v11  }
0x12d: {  	vm15 =	vge.u32 v10, v2;
	vm0 =	vlt.u32 v10, v3;
	vm1 =	vlt.u32 v7, v3;
	v11 =	vld [tilespmem:s14+$0xFFFFFFC0];
	v7 =	vpop (erf)  }
0x12e: {  	vm11 =	vge.u32 v8, v2;
	vm12 =	vlt.u32 v8, v3;
	(erf) = vrcp.f32 v12;
	v6 =	vpop (erf)  }
0x12f: {  	vm7 =	vmand vm2, vm3;
	vm5 =	vmand vm4, vm5;
	v7 =	vadd.f32 $1.000000000e+00, v7;
	v8 =	vpop (erf)  }
0x130: {  	v42 =	vld [tilespmem:s25+$0x30];
	v63 =	vimm.s32 $0x0;
	v40 =	vadd.f32 $1.000000000e+00, v6;
	vm2 =	vnez.u8 v9;
	v9 =	vpop (erf)  }
0x131: {  	vm3 =	vmand vm6, vm14;
	(erf) = vrcp.f32 v7;
	v6 =	vpop (erf);
	v41 =	vadd.f32 $1.000000000e+00, v9  }
0x132: {  	s13 =	sadd.s32 $0x80, s13;
	v8 =	vmul.f32 $1.000000000e+04, v8;
	v7 =	vsub.f32 $0.0e+00, v11;
	(erf) = vrcp.f32 v40;
	v11 =	vpop (erf)  }
0x133: {  	v10 =	vld [tilespmem:s13+$0xFFFFFFC0];
	vm0 =	vmand vm15, vm0;
	v13 =	vadd.f32 $1.000000000e+00, v6;
	(erf) = vrcp.f32 v41;
	v9 =	vpop (erf)  }
0x134: {  	v8 =	vtrunc.f32 v8;
	v11 =	vadd.f32 $1.000000000e+00, v11;
	v9 =	vmul.f32 $1.000000000e+04, v9  }
0x135: {  	vm6 =	vge.f32 v42, $5.000000000e-01;
	v8 =	vcvt.f32.s32 v8;
	(erf) = vrcp.f32 v13  }
0x136: {  	s24 =	smov.u32 s5;
	vm8 =	vmand vm2, vm8;
	(erf) = vrcp.f32 v11;
	v9 =	vtrunc.f32 v9  }
0x137: {  	vm2 =	vmand vm13, vm1;
	v7 =	vmul.f32 $1.442695020e+00, v7;
	v11 =	vld [tilespmem:s24+$0x20];
	v6 =	vpop (erf);
	v9 =	vcvt.f32.s32 v9  }
0x138: {  	s6 =	smov.u32 s10;
	vm4 =	vge.f32 v10, $5.000000000e-01;
	v43 =	vadd.s32 $0x2800, v8;
	v6 =	vmul.f32 $1.000000000e+04, v6  }
0x139: {  	s26 =	smov.u32 s31;
	(erf) = vpow2.f32 v7;
	v7 =	vsel vm4, v43, v8;
	v8 =	vld [tilespmem:s6+$0xFFFFFFD0];
	v44 =	vadd.s32 $0x2800, v9  }
0x13a: {  	v14 =	vld [tilespmem:s26+$0x10];
	vm4 =	vmand vm9, vm10;
	v10 =	vpop (erf);
	v6 =	vtrunc.f32 v6;
	v9 =	vsel vm6, v44, v9  }
0x13b: {  	s31 =	rddreg [dreg:$0x5];
	v45 =	vpop (erf);
	v10 =	vmul.f32 $1.000000000e+04, v10;
	v6 =	vcvt.f32.s32 v6;
	v9 =	vsel vm8, v9, v1  }
0x13c: {  	s1 =	smov.u32 s30;
	v7 =	vsel vm7, v7, v1;
	vm6 =	vge.f32 v11, $5.000000000e-01;
	v46 =	vmul.f32 $1.000000000e+04, v45;
	v47 =	vpop (erf);
	[tilespmem:s31+$0x70] =	vst v9  }
0x13d: {  	v10 =	vtrunc.f32 v10;
	v11 =	vadd.s32 $0x2800, v6;
	[spmem:s19] =	stream.indirect.scatter.add.f32 [tilespmem:s22], [sflag:$0x1], $0x1, s31, s21, $0xb8;
	v13 =	vmul.f32 $1.000000000e+04, v47;
	[tilespmem:$0x3380] =	vst v63  }
0x13e: {  	s25 =	smov.u32 s2;
	s20 =	smov.u32 s4;
	v10 =	vcvt.f32.s32 v10;
	v6 =	vsel vm6, v11, v6;
	vm6 =	vge.f32 v8, $5.000000000e-01;
	v8 =	vpop (erf);
	v9 =	vld [tilespmem:s1+$0x0]  }
0x13f: {  	s4 =	smov.u32 s23;
	s2 =	smov.u32 s7;
	s7 =	rddreg [dreg:$0xd];
	v6 =	vsel vm5, v6, v1;
	v15 =	vpop (erf);
	vm5 =	vge.f32 v14, $5.000000000e-01;
	v8 =	vmul.f32 $1.000000000e+04, v8  }
0x140: {  	s5 =	smov.u32 s9;
	s9 =	rddreg [dreg:$0xc];
	v48 =	vld [tilespmem:s25+$0xFFFFFFF0];
	v13 =	vtrunc.f32 v13;
	v49 =	vadd.s32 $0x2800, v10;
	[tilespmem:s4+$0x60] =	vst v6;
	v6 =	vmul.f32 $1.000000000e+04, v15  }
0x141: {  	s23 =	smov.u32 s3;
	s3 =	smov.u32 s16;
	s16 =	rddreg [dreg:$0xa];
	v11 =	vtrunc.f32 v46;
	v13 =	vcvt.f32.s32 v13;
	v10 =	vsel vm5, v49, v10;
	v50 =	vld [tilespmem:s9+$0x30]  }
0x142: {  	s30 =	smov.u32 s25;
	[dreg:$0x5] =	wrdreg s4;
	s31 =	smov.u32 s1;
	v8 =	vtrunc.f32 v8;
	v10 =	vsel vm3, v10, v1;
	v6 =	vtrunc.f32 v6  }
0x143: {  	s21 =	smov.u32 s29;
	s22 =	smov.u32 s15;
	s9 =	smov.u32 s11;
	v16 =	vld [tilespmem:s20+$0xFFFFFFE0];
	[tilespmem:s5+$0x50] =	vst v10;
	v6 =	vcvt.f32.s32 v6;
	vm3 =	vge.f32 v9, $5.000000000e-01;
	v9 =	vadd.s32 $0x2800, v13  }
0x144: {  	s1 =	smov.u32 s28;
	s28 =	smov.u32 s7;
	v11 =	vcvt.f32.s32 v11;
	s7 =	sadd.s32 $0x80, s7;
	v8 =	vcvt.f32.s32 v8;
	v10 =	vld [tilespmem:s9+$0x20];
	v9 =	vsel vm3, v9, v13  }
0x145: {  	s15 =	smov.u32 s16;
	s16 =	rddreg [dreg:$0x6];
	s25 =	smov.u32 s18;
	[tilespmem:s7+$0x0] =	vst v7;
	v53 =	vadd.s32 $0x2800, v6;
	v9 =	vsel vm2, v9, v1;
	vm2 =	vge.f32 v48, $5.000000000e-01  }
0x146: {  	s29 =	smov.u32 s23;
	[dreg:$0xa] =	wrdreg s25;
	v52 =	vadd.s32 $0x2800, v11;
	[tilespmem:s21+$0x40] =	vst v9;
	v9 =	vsub.f32 $0.0e+00, v50;
	v6 =	vsel vm2, v53, v6  }
0x147: {  	s4 =	smov.u32 s0;
	s0 =	smov.u32 s15;
	[dreg:$0xc] =	wrdreg s9;
	v7 =	vsel vm6, v52, v11;
	v55 =	vadd.s32 $0x2800, v8;
	v11 =	vld [tilespmem:s3+$0x10];
	v6 =	vsel vm0, v6, v1  }
0x148: {  	s11 =	smov.u32 s3;
	s9 =	smov.u32 s21;
	v7 =	vsel vm4, v7, v1;
	vm3 =	vge.f32 v16, $5.000000000e-01;
	s21 =	rddreg [dreg:$0x9];
	v54 =	vld [tilespmem:s25+$0xFFFFFFD0];
	v9 =	vmul.f32 $1.442695020e+00, v9;
	[tilespmem:s23+$0x30] =	vst v6  }
0x149: {  	vm1 =	vmand vm11, vm12;
	v8 =	vsel vm3, v55, v8;
	s25 =	sadd.s32 s8, s16;
	s16 =	smov.u32 s22;
	v6 =	vsub.f32 $0.0e+00, v10;
	s23 =	smov.u32 s21;
	[tilespmem:s28+$0x10] =	vst v7  }
0x14a: {  	v51 =	vpop (erf);
	s3 =	smov.u32 s2;
	v57 =	vadd.s32 s25, v0;
	v7 =	vsel vm1, v8, v1;
	s21 =	sadd.s32 $0x60, s23;
	v56 =	vld [tilespmem:s22+$0x0];
	s22 =	smov.u32 s19;
	(erf) = vpow2.f32 v9  }
0x14b: {  	v15 =	vadd.f32 $1.000000000e+00, v51;
	vm2 =	vge.u32 v57, v2;
	s19 =	rddreg [dreg:$0x7];
	v58 =	vld [tilespmem:s15+$0xFFFFFFE0];
	[tilespmem:s2+$0x20] =	vst v7;
	s2 =	smov.u32 s20;
	s20 =	sadd.s32 $0x50, s17;
	v8 =	vmul.f32 $1.442695020e+00, v6  }
0x14c: {  	vm3 =	vlt.u32 v57, v3;
	[dreg:$0x7] =	wrdreg s23;
	s23 =	smov.u32 s17;
	s19 =	sadd.s32 $0x70, s19;
	v18 =	vld [tilespmem:s4+$0xFFFFFFF0];
	v6 =	vadd.s32 s20, v0;
	v9 =	vsub.f32 $0.0e+00, v11  }
0x14d: {  	s15 =	smov.u32 s4;
	s4 =	smov.u32 s6;
	s6 =	sadd.s32 $0x40, s1;
	v17 =	vadd.s32 s19, v0;
	v12 =	vsub.f32 $0.0e+00, v54;
	(erf) = vpow2.f32 v8  }
0x14e: {  	[dreg:$0x9] =	wrdreg s23;
	s23 =	sadd.s32 $0x20, s12;
	v11 =	vadd.s32 s21, v0;
	v7 =	vadd.s32 s6, v0;
	v19 =	vmul.f32 $1.442695020e+00, v9  }
0x14f: {  	p1 =	sne.s32 s8, $0xC00;
	s10 =	smov.u32 s13;
	s18 =	smov.u32 s14;
	v8 =	vadd.s32 s23, v0;
	v12 =	vmul.f32 $1.442695020e+00, v12;
	v13 =	vsub.f32 $0.0e+00, v56  }
0x150: {  	[dreg:$0xd] =	wrdreg s7;
	s7 =	smov.u32 s28;
	s8 =	sadd.s32 $0x80, s8;
	vm6 =	vge.u32 v6, v2;
	v16 =	vsub.f32 $0.0e+00, v58;
	(erf) = vpow2.f32 v19  }
0x151: {  	s17 =	smov.u32 s1;
	s21 =	rddreg [dreg:$0x8];
	s6 =	smov.u32 s12;
	v59 =	vsub.f32 $0.0e+00, v18;
	(erf) = vpow2.f32 v12;
	v60 =	vmul.f32 $1.442695020e+00, v13  }
.Ltmp1:
0x152: {  	s19 =	rddreg [dreg:$0xb];
	s23 =	smov.u32 s5;
	vm0 =	vge.u32 v17, v2;
	v61 =	vmul.f32 $1.442695020e+00, v16;
	(erf) = vrcp.f32 v15;
	(pc) =	sbr.rel @p1 .LBB2_4-.Ltmp1, $4  }
0x153: {  	s5 =	smov.u32 s26;
	s26 =	smov.u32 s25;
	s25 =	smov.u32 s24;
	vm4 =	vge.u32 v11, v2;
	v12 =	vmul.f32 $1.442695020e+00, v59;
	(erf) = vpow2.f32 v60;
	v62 =	vpop (erf)  }
0x154: {  	s28 =	smov.u32 s21;
	[dreg:$0x8] =	wrdreg s6;
	s6 =	sadd.s32 $0x10, s19;
	vm8 =	vlt.u32 v17, v3;
	(erf) = vpow2.f32 v61;
	v13 =	vadd.f32 $1.000000000e+00, v62  }
0x155: {  	s12 =	smov.u32 s19;
	[dreg:$0xb] =	wrdreg s26;
	vm5 =	vlt.u32 v11, v3;
	s21 =	sadd.s32 $0x30, s28;
	v14 =	vsel vm0, $0xFFFFFFFF, v63;
	(erf) = vpow2.f32 v12  }
0x156: {  	s19 =	smov.u32 s22;
	s22 =	simm.s32 $0x2900;
	v9 =	vadd.s32 s6, v0;
	v10 =	vadd.s32 s21, v0;
	s21 =	simm.s32 $0x80;
	[tilespmem:$0x1FFF0] =	vst v14;
	v11 =	vpop (erf);
	(erf) = vrcp.f32 v13  }
0x157: {  	_ =	sdelay $0x1  }
0x158: {  	v11 =	vadd.f32 $1.000000000e+00, v11;
	v12 =	vpop (erf)  }
0x159: {  	v35 =	vpop (erf)  }
0x15a: {  	(erf) = vrcp.f32 v11;
	v12 =	vadd.f32 $1.000000000e+00, v12;
	v13 =	vpop (erf)  }
0x15b: {  	v11 =	vadd.f32 $1.000000000e+00, v35;
	v14 =	vpop (erf)  }
0x15c: {  	(erf) = vrcp.f32 v12;
	v36 =	vadd.f32 $1.000000000e+00, v14  }
0x15d: {  	vm1 =	vlt.u32 v6, v3;
	(erf) = vrcp.f32 v11;
	v6 =	vpop (erf)  }
0x15e: {  	vm0 =	vge.u32 v7, v2;
	s6 =	sadd.s32 $0x80, s13;
	v37 =	vpop (erf);
	(erf) = vrcp.f32 v36  }
0x15f: {  	vm9 =	vge.u32 v10, v2;
	vm10 =	vlt.u32 v10, v3;
	[dreg:$0x16] =	wrdreg s6;
	v38 =	vadd.f32 $1.000000000e+00, v6  }
0x160: {  	vm11 =	vlt.u32 v7, v3;
	vm12 =	vge.u32 v8, v2;
	v7 =	vld [tilespmem:s6+$0xFFFFFFC0];
	v10 =	vadd.f32 $1.000000000e+00, v37  }
0x161: {  	vm13 =	vlt.u32 v8, v3;
	vm14 =	vge.u32 v9, v2;
	v6 =	vpop (erf);
	(erf) = vrcp.f32 v38  }
0x162: {  	vm15 =	vlt.u32 v9, v3;
	vm7 =	vmand vm2, vm3;
	v41 =	vld [tilespmem:s5+$0x20];
	(erf) = vrcp.f32 v10  }
0x163: {  	vm6 =	vmand vm6, vm1;
	vm1 =	vmand vm4, vm5;
	v43 =	vld [tilespmem:s31+$0x10];
	v39 =	vmul.f32 $1.000000000e+04, v13;
	v40 =	vpop (erf)  }
0x164: {  	vm3 =	vmand vm9, vm10;
	vm11 =	vmand vm0, vm11;
	v47 =	vld [tilespmem:s30+$0x0];
	v9 =	vmul.f32 $1.000000000e+04, v40  }
0x165: {  	vm2 =	vmand vm12, vm13;
	v8 =	vtrunc.f32 v39;
	vm10 =	vge.f32 v7, $5.000000000e-01;
	v7 =	vpop (erf)  }
0x166: {  	vm14 =	vmand vm14, vm15;
	v9 =	vtrunc.f32 v9;
	v7 =	vmul.f32 $1.000000000e+04, v7;
	v44 =	vpop (erf)  }
0x167: {  	vm13 =	vge.f32 v41, $5.000000000e-01;
	v8 =	vcvt.f32.s32 v8;
	v9 =	vcvt.f32.s32 v9;
	v45 =	vpop (erf)  }
0x168: {  	vm15 =	vge.f32 v43, $5.000000000e-01;
	v7 =	vtrunc.f32 v7;
	v13 =	vmul.f32 $1.000000000e+04, v45  }
0x169: {  	vm9 =	vge.f32 v47, $5.000000000e-01;
	v46 =	vadd.s32 $0x2800, v9;
	v7 =	vcvt.f32.s32 v7  }
0x16a: {  	v42 =	vadd.s32 $0x2800, v8;
	v9 =	vsel vm13, v46, v9;
	v49 =	vpop (erf);
	v13 =	vtrunc.f32 v13  }
0x16b: {  	v15 =	vld [tilespmem:s10+$0xFFFFFFD0];
	v9 =	vsel vm1, v9, v1;
	v16 =	vpop (erf);
	v50 =	vadd.s32 $0x2800, v7;
	v13 =	vcvt.f32.s32 v13  }
0x16c: {  	v17 =	vld [tilespmem:s2+$0xFFFFFFF0];
	v48 =	vmul.f32 $1.000000000e+04, v44;
	[tilespmem:s23+$0x60] =	vst v9;
	v51 =	vmul.f32 $1.000000000e+04, v16;
	v7 =	vsel vm15, v50, v7  }
0x16d: {  	v8 =	vsel vm10, v42, v8;
	s1 =	rddreg [dreg:$0xc];
	v7 =	vsel vm6, v7, v1;
	v54 =	vadd.s32 $0x2800, v13  }
0x16e: {  	v10 =	vtrunc.f32 v48;
	v52 =	vld [tilespmem:s1+$0x30];
	v9 =	vtrunc.f32 v51;
	[tilespmem:s9+$0x50] =	vst v7;
	v55 =	vsel vm9, v54, v13  }
0x16f: {  	v53 =	vld [tilespmem:s4+$0xFFFFFFE0];
	v7 =	vmul.f32 $1.000000000e+04, v49;
	v9 =	vcvt.f32.s32 v9;
	[dreg:$0x15] =	wrdreg s9;
	v11 =	vsel vm11, v55, v1  }
0x170: {  	vm10 =	vge.f32 v15, $5.000000000e-01;
	v8 =	vsel vm7, v8, v1;
	v10 =	vcvt.f32.s32 v10;
	[tilespmem:s29+$0x40] =	vst v11  }
0x171: {  	v56 =	vld [tilespmem:s11+$0x20];
	v7 =	vtrunc.f32 v7;
	vm11 =	vge.f32 v17, $5.000000000e-01;
	v57 =	vadd.s32 $0x2800, v9;
	s24 =	rddreg [dreg:$0xd]  }
0x172: {  	v58 =	vadd.s32 $0x2800, v10;
	v7 =	vcvt.f32.s32 v7;
	v9 =	vsel vm11, v57, v9;
	s20 =	sadd.s32 $0x80, s24  }
0x173: {  	v60 =	vsel vm10, v58, v10;
	v59 =	vld [tilespmem:s16+$0x10];
	v12 =	vsub.f32 $0.0e+00, v52;
	v9 =	vsel vm3, v9, v1;
	[tilespmem:s20+$0x0] =	vst v8  }
0x174: {  	vm12 =	vge.f32 v53, $5.000000000e-01;
	v62 =	vadd.s32 $0x2800, v7;
	[tilespmem:s3+$0x30] =	vst v9;
	v8 =	vsel vm14, v60, v1;
	v61 =	vld [tilespmem:s18+$0xFFFFFFD0]  }
0x175: {  	v12 =	vmul.f32 $1.442695020e+00, v12;
	v7 =	vsel vm12, v62, v7;
	v16 =	vld [tilespmem:s15+$0x0];
	[tilespmem:s24+$0x10] =	vst v8  }
0x176: {  	v63 =	vsub.f32 $0.0e+00, v56;
	v7 =	vsel vm2, v7, v1;
	s1 =	rddreg [dreg:$0xa]  }
0x177: {  	(erf) = vpow2.f32 v12;
	[tilespmem:s7+$0x20] =	vst v7;
	v18 =	vld [tilespmem:s1+$0xFFFFFFE0]  }
0x178: {  	v17 =	vmul.f32 $1.442695020e+00, v63;
	v7 =	vsub.f32 $0.0e+00, v59;
	v19 =	vld [tilespmem:s0+$0xFFFFFFF0]  }
0x179: {  	v20 =	vsub.f32 $0.0e+00, v61  }
0x17a: {  	(erf) = vpow2.f32 v17;
	v7 =	vmul.f32 $1.442695020e+00, v7;
	v21 =	vsub.f32 $0.0e+00, v16  }
0x17b: {  	v8 =	vmul.f32 $1.442695020e+00, v20  }
0x17c: {  	(erf) = vpow2.f32 v7;
	v22 =	vmul.f32 $1.442695020e+00, v21;
	v7 =	vsub.f32 $0.0e+00, v18  }
0x17d: {  	v23 =	vsub.f32 $0.0e+00, v19;
	(erf) = vpow2.f32 v8  }
0x17e: {  	v7 =	vmul.f32 $1.442695020e+00, v7;
	(erf) = vpow2.f32 v22  }
0x17f: {  	v8 =	vmul.f32 $1.442695020e+00, v23  }
0x180: {  	v24 =	vpop (erf);
	(erf) = vpow2.f32 v7  }
0x181: {  	v7 =	vadd.f32 $1.000000000e+00, v24;
	(erf) = vpow2.f32 v8;
	_ =	sdelay $0x1  }
0x182: {  	v25 =	vpop (erf);
	(erf) = vrcp.f32 v7  }
0x183: {  	s8 =	sadd.s32 $0x50, s17;
	v8 =	vadd.f32 $1.000000000e+00, v25  }
0x184: {  	s26 =	smov.u32 s10;
	v28 =	vadd.s32 s8, v0;
	s10 =	sadd.s32 $0x40, s28;
	v7 =	vpop (erf)  }
0x185: {  	v30 =	vadd.s32 s10, v0;
	s10 =	smov.u32 s12;
	s12 =	sadd.s32 $0x20, s12;
	(erf) = vrcp.f32 v8;
	v7 =	vadd.f32 $1.000000000e+00, v7;
	v26 =	vpop (erf)  }
0x186: {  	v32 =	vadd.s32 s12, v0;
	vm7 =	vlt.u32 v28, v3;
	vm1 =	vge.u32 v28, v2;
	v27 =	vpop (erf)  }
0x187: {  	v37 =	vld [tilespmem:s31+$0x20];
	(erf) = vrcp.f32 v7;
	v8 =	vadd.f32 $1.000000000e+00, v26;
	v7 =	vadd.f32 $1.000000000e+00, v27  }
0x188: {  	vm5 =	vge.u32 v32, v2;
	vm1 =	vmand vm1, vm7;
	v39 =	vld [tilespmem:s30+$0x10];
	v31 =	vpop (erf)  }
0x189: {  	s14 =	smov.u32 s3;
	s6 =	smov.u32 s18;
	vm6 =	vge.u32 v30, v2;
	v43 =	vld [tilespmem:s2+$0x0];
	(erf) = vrcp.f32 v8;
	v33 =	vpop (erf);
	v8 =	vadd.f32 $1.000000000e+00, v31  }
0x18a: {  	vm11 =	vlt.u32 v30, v3;
	s3 =	smov.u32 s15;
	s18 =	smov.u32 s7;
	s7 =	rddreg [dreg:$0x9];
	(erf) = vrcp.f32 v7;
	v13 =	vadd.f32 $1.000000000e+00, v33  }
0x18b: {  	vm6 =	vmand vm6, vm11;
	s15 =	smov.u32 s0;
	vm12 =	vlt.u32 v32, v3;
	s0 =	smov.u32 s17;
	s17 =	rddreg [dreg:$0x8];
	v7 =	vpop (erf);
	(erf) = vrcp.f32 v8  }
0x18c: {  	vm14 =	vge.f32 v37, $5.000000000e-01;
	vm5 =	vmand vm5, vm12;
	v53 =	vld [tilespmem:s26+$0xFFFFFFE0];
	s12 =	rddreg [dreg:$0xb];
	s7 =	sadd.s32 $0x60, s7;
	s13 =	sadd.s32 $0x30, s17;
	(erf) = vrcp.f32 v13  }
0x18d: {  	vm15 =	vge.f32 v39, $5.000000000e-01;
	v48 =	vld [tilespmem:s4+$0xFFFFFFF0];
	v29 =	vadd.s32 s7, v0;
	s7 =	sadd.s32 $0x10, s12;
	v34 =	vadd.s32 s13, v0;
	s13 =	rddreg [dreg:$0x16]  }
0x18e: {  	vm7 =	vge.f32 v43, $5.000000000e-01;
	v35 =	vadd.s32 s7, v0;
	vm0 =	vge.u32 v29, v2;
	v49 =	vld [tilespmem:s13+$0xFFFFFFD0];
	v36 =	vpop (erf)  }
0x18f: {  	vm2 =	vlt.u32 v29, v3;
	vm9 =	vge.u32 v34, v2;
	v8 =	vmul.f32 $1.000000000e+04, v36  }
0x190: {  	vm10 =	vlt.u32 v34, v3;
	vm3 =	vge.u32 v35, v2;
	vm4 =	vlt.u32 v35, v3  }
0x191: {  	vm0 =	vmand vm0, vm2;
	vm13 =	vmand vm9, vm10;
	v38 =	vpop (erf);
	v8 =	vtrunc.f32 v8  }
0x192: {  	vm12 =	vge.f32 v53, $5.000000000e-01;
	v10 =	vmul.f32 $1.000000000e+04, v38;
	v8 =	vcvt.f32.s32 v8;
	v40 =	vpop (erf)  }
0x193: {  	vm10 =	vge.f32 v48, $5.000000000e-01;
	vm11 =	vge.f32 v49, $5.000000000e-01;
	v41 =	vpop (erf);
	v44 =	vmul.f32 $1.000000000e+04, v40  }
0x194: {  	v10 =	vtrunc.f32 v10;
	v42 =	vadd.s32 $0x2800, v8;
	v13 =	vmul.f32 $1.000000000e+04, v41;
	v45 =	vpop (erf)  }
0x195: {  	v10 =	vcvt.f32.s32 v10;
	v8 =	vsel vm14, v42, v8;
	v9 =	vtrunc.f32 v44;
	v46 =	vpop (erf)  }
0x196: {  	v8 =	vsel vm0, v8, v1;
	v13 =	vtrunc.f32 v13;
	v15 =	vmul.f32 $1.000000000e+04, v46  }
0x197: {  	v47 =	vadd.s32 $0x2800, v10;
	[tilespmem:s9+$0x60] =	vst v8;
	v12 =	vmul.f32 $1.000000000e+04, v45;
	v13 =	vcvt.f32.s32 v13  }
0x198: {  	v10 =	vsel vm15, v47, v10;
	v9 =	vcvt.f32.s32 v9;
	v51 =	vld [tilespmem:s11+$0x30];
	v15 =	vtrunc.f32 v15  }
0x199: {  	v50 =	vsel vm1, v10, v1;
	v52 =	vadd.s32 $0x2800, v13;
	v54 =	vcvt.f32.s32 v15  }
0x19a: {  	[tilespmem:s29+$0x50] =	vst v50;
	v12 =	vtrunc.f32 v12;
	v58 =	vadd.s32 $0x2800, v9;
	v13 =	vsel vm7, v52, v13  }
0x19b: {  	v55 =	vld [tilespmem:s16+$0x20];
	v56 =	vcvt.f32.s32 v12;
	v13 =	vsel vm6, v13, v1;
	v15 =	vadd.s32 $0x2800, v54  }
0x19c: {  	vm9 =	vmand vm3, vm4;
	v9 =	vsel vm11, v58, v9;
	[tilespmem:s14+$0x40] =	vst v13;
	v8 =	vsel vm10, v15, v54  }
0x19d: {  	v59 =	vadd.s32 $0x2800, v56;
	v10 =	vsub.f32 $0.0e+00, v51;
	v57 =	vld [tilespmem:s3+$0x10];
	v8 =	vsel vm13, v8, v1  }
0x19e: {  	v60 =	vsel vm9, v9, v1;
	v61 =	vsel vm12, v59, v56;
	[tilespmem:s18+$0x30] =	vst v8  }
0x19f: {  	[tilespmem:s20+$0x10] =	vst v60;
	v15 =	vsel vm5, v61, v1;
	v10 =	vmul.f32 $1.442695020e+00, v10;
	v63 =	vld [tilespmem:s15+$0x0]  }
0x1a0: {  	v16 =	vld [tilespmem:s6+$0xFFFFFFE0];
	v62 =	vsub.f32 $0.0e+00, v55;
	[tilespmem:s24+$0x20] =	vst v15  }
0x1a1: {  	v19 =	vld [tilespmem:s1+$0xFFFFFFF0];
	(erf) = vpow2.f32 v10  }
0x1a2: {  	v17 =	vmul.f32 $1.442695020e+00, v62;
	v18 =	vsub.f32 $0.0e+00, v57;
	_ =	sdelay $0x1  }
0x1a3: {  	(erf) = vpow2.f32 v17;
	v20 =	vmul.f32 $1.442695020e+00, v18;
	v21 =	vsub.f32 $0.0e+00, v63  }
0x1a4: {  	v22 =	vsub.f32 $0.0e+00, v16  }
0x1a5: {  	v10 =	vsub.f32 $0.0e+00, v19;
	(erf) = vpow2.f32 v20;
	v23 =	vmul.f32 $1.442695020e+00, v21  }
0x1a6: {  	v8 =	vmul.f32 $1.442695020e+00, v22  }
0x1a7: {  	v24 =	vmul.f32 $1.442695020e+00, v10;
	(erf) = vpow2.f32 v23  }
0x1a8: {  	(erf) = vpow2.f32 v8  }
0x1a9: {  	v25 =	vpop (erf);
	(erf) = vpow2.f32 v24  }
0x1aa: {  	v8 =	vadd.f32 $1.000000000e+00, v25;
	_ =	sdelay $0x1  }
0x1ab: {  	v26 =	vpop (erf);
	(erf) = vrcp.f32 v8  }
0x1ac: {  	v9 =	vadd.f32 $1.000000000e+00, v26  }
0x1ad: {  	v27 =	vpop (erf)  }
0x1ae: {  	(erf) = vrcp.f32 v9;
	v8 =	vadd.f32 $1.000000000e+00, v27  }
0x1af: {  	v28 =	vpop (erf)  }
0x1b0: {  	(erf) = vrcp.f32 v8;
	v29 =	vadd.f32 $1.000000000e+00, v28;
	v30 =	vpop (erf)  }
0x1b1: {  	s8 =	sadd.s32 $0x50, s28;
	v31 =	vpop (erf);
	v9 =	vadd.f32 $1.000000000e+00, v30  }
0x1b2: {  	v32 =	vadd.s32 s8, v0;
	s8 =	sadd.s32 $0x20, s12;
	(erf) = vrcp.f32 v29;
	v10 =	vadd.f32 $1.000000000e+00, v31  }
0x1b3: {  	v35 =	vadd.s32 s8, v0;
	(erf) = vrcp.f32 v9  }
0x1b4: {  	vm2 =	vge.u32 v35, v2;
	s9 =	sadd.s32 $0x60, s0;
	s11 =	sadd.s32 $0x40, s17;
	v8 =	vpop (erf);
	(erf) = vrcp.f32 v10  }
0x1b5: {  	v33 =	vadd.s32 s9, v0;
	s9 =	sadd.s32 $0x30, s10;
	vm1 =	vge.u32 v32, v2;
	v34 =	vadd.s32 s11, v0  }
0x1b6: {  	v36 =	vadd.s32 s9, v0;
	vm0 =	vge.u32 v33, v2;
	v38 =	vld [tilespmem:s30+$0x20];
	vm4 =	vge.u32 v34, v2  }
0x1b7: {  	vm14 =	vge.u32 v36, v2;
	vm15 =	vlt.u32 v36, v3;
	vm11 =	vlt.u32 v34, v3;
	v41 =	vld [tilespmem:s2+$0x10];
	v37 =	vpop (erf)  }
0x1b8: {  	vm14 =	vmand vm14, vm15;
	vm6 =	vlt.u32 v33, v3;
	v44 =	vld [tilespmem:s4+$0x0];
	v14 =	vmul.f32 $1.000000000e+04, v37  }
0x1b9: {  	vm9 =	vmand vm4, vm11;
	vm12 =	vlt.u32 v35, v3;
	vm0 =	vmand vm0, vm6;
	v39 =	vpop (erf)  }
0x1ba: {  	vm13 =	vlt.u32 v32, v3;
	v40 =	vtrunc.f32 v14;
	v11 =	vmul.f32 $1.000000000e+04, v39  }
0x1bb: {  	vm1 =	vmand vm1, vm13;
	vm13 =	vge.f32 v38, $5.000000000e-01;
	v13 =	vcvt.f32.s32 v40;
	v42 =	vpop (erf)  }
0x1bc: {  	vm15 =	vge.f32 v41, $5.000000000e-01;
	v11 =	vtrunc.f32 v11;
	v10 =	vmul.f32 $1.000000000e+04, v42;
	v45 =	vpop (erf)  }
0x1bd: {  	vm7 =	vge.f32 v44, $5.000000000e-01;
	v43 =	vadd.s32 $0x2800, v13;
	v11 =	vcvt.f32.s32 v11;
	v46 =	vpop (erf)  }
0x1be: {  	v47 =	vld [tilespmem:s26+$0xFFFFFFF0];
	v9 =	vsel vm13, v43, v13;
	v10 =	vtrunc.f32 v10;
	v15 =	vmul.f32 $1.000000000e+04, v46  }
0x1bf: {  	v49 =	vld [tilespmem:s13+$0xFFFFFFE0];
	v13 =	vmul.f32 $1.000000000e+04, v45;
	v48 =	vadd.s32 $0x2800, v11;
	v10 =	vcvt.f32.s32 v10  }
0x1c0: {  	v9 =	vsel vm0, v9, v1;
	v11 =	vsel vm15, v48, v11;
	v15 =	vtrunc.f32 v15  }
0x1c1: {  	v13 =	vtrunc.f32 v13;
	v50 =	vadd.s32 $0x2800, v10;
	v51 =	vcvt.f32.s32 v15  }
0x1c2: {  	[tilespmem:s29+$0x60] =	vst v9;
	v11 =	vsel vm1, v11, v1;
	v53 =	vcvt.f32.s32 v13;
	v9 =	vsel vm7, v50, v10  }
0x1c3: {  	vm10 =	vge.f32 v47, $5.000000000e-01;
	v52 =	vld [tilespmem:s16+$0x30];
	[tilespmem:s14+$0x50] =	vst v11;
	v9 =	vsel vm9, v9, v1;
	v54 =	vadd.s32 $0x2800, v51  }
0x1c4: {  	vm11 =	vge.f32 v49, $5.000000000e-01;
	v11 =	vld [tilespmem:s3+$0x20];
	v56 =	vadd.s32 $0x2800, v53;
	[tilespmem:s18+$0x40] =	vst v9;
	v55 =	vsel vm10, v54, v51  }
0x1c5: {  	vm12 =	vmand vm2, vm12;
	v10 =	vsel vm11, v56, v53;
	v57 =	vld [tilespmem:s15+$0x10];
	v9 =	vsel vm14, v55, v1  }
0x1c6: {  	v58 =	vsel vm12, v10, v1;
	[tilespmem:s24+$0x30] =	vst v9  }
0x1c7: {  	[tilespmem:s20+$0x20] =	vst v58;
	v60 =	vld [tilespmem:s1+$0x0]  }
0x1c8: {  	v59 =	vsub.f32 $0.0e+00, v52;
	v62 =	vld [tilespmem:s6+$0xFFFFFFF0]  }
0x1c9: {  	v61 =	vsub.f32 $0.0e+00, v11  }
0x1ca: {  	v10 =	vmul.f32 $1.442695020e+00, v59;
	v13 =	vsub.f32 $0.0e+00, v57  }
0x1cb: {  	v9 =	vmul.f32 $1.442695020e+00, v61  }
0x1cc: {  	(erf) = vpow2.f32 v10;
	v63 =	vmul.f32 $1.442695020e+00, v13;
	v13 =	vsub.f32 $0.0e+00, v60  }
0x1cd: {  	(erf) = vpow2.f32 v9;
	v11 =	vsub.f32 $0.0e+00, v62  }
0x1ce: {  	v14 =	vmul.f32 $1.442695020e+00, v13  }
0x1cf: {  	v15 =	vmul.f32 $1.442695020e+00, v11;
	(erf) = vpow2.f32 v63  }
0x1d0: {  	(erf) = vpow2.f32 v14  }
0x1d1: {  	(erf) = vpow2.f32 v15;
	_ =	sdelay $0x3  }
0x1d2: {  	v16 =	vpop (erf)  }
0x1d3: {  	v9 =	vadd.f32 $1.000000000e+00, v16;
	v17 =	vpop (erf)  }
0x1d4: {  	v10 =	vadd.f32 $1.000000000e+00, v17  }
0x1d5: {  	(erf) = vrcp.f32 v9;
	v18 =	vpop (erf)  }
0x1d6: {  	(erf) = vrcp.f32 v10;
	v9 =	vadd.f32 $1.000000000e+00, v18;
	v19 =	vpop (erf)  }
0x1d7: {  	v20 =	vadd.f32 $1.000000000e+00, v19;
	v21 =	vpop (erf)  }
0x1d8: {  	(erf) = vrcp.f32 v9;
	v10 =	vadd.f32 $1.000000000e+00, v21  }
0x1d9: {  	(erf) = vrcp.f32 v20  }
0x1da: {  	(erf) = vrcp.f32 v10  }
0x1db: {  	s11 =	sadd.s32 $0x50, s17  }
0x1dc: {  	s7 =	sadd.s32 $0x60, s28;
	s8 =	sadd.s32 $0x40, s10;
	v22 =	vadd.s32 s11, v0;
	s11 =	sadd.s32 $0x30, s12  }
0x1dd: {  	s9 =	smov.u32 s30;
	s30 =	smov.u32 s13;
	s13 =	smov.u32 s4;
	v23 =	vadd.s32 s7, v0;
	v25 =	vadd.s32 s11, v0;
	v24 =	vadd.s32 s8, v0;
	v27 =	vld [tilespmem:s2+$0x20]  }
0x1de: {  	vm13 =	vge.u32 v22, v2;
	vm0 =	vge.u32 v23, v2;
	vm15 =	vge.u32 v24, v2;
	v30 =	vld [tilespmem:s13+$0x10];
	v9 =	vpop (erf)  }
0x1df: {  	vm9 =	vlt.u32 v22, v3;
	vm11 =	vlt.u32 v25, v3;
	vm10 =	vge.u32 v25, v2;
	v35 =	vld [tilespmem:s30+$0xFFFFFFF0];
	v26 =	vpop (erf)  }
0x1e0: {  	vm12 =	vlt.u32 v24, v3;
	vm14 =	vlt.u32 v23, v3;
	v32 =	vld [tilespmem:s26+$0x0];
	v28 =	vmul.f32 $1.000000000e+04, v26  }
0x1e1: {  	vm1 =	vmand vm13, vm9;
	vm13 =	vmand vm15, vm12;
	vm0 =	vmand vm0, vm14;
	v29 =	vpop (erf)  }
0x1e2: {  	vm14 =	vge.f32 v27, $5.000000000e-01;
	v10 =	vtrunc.f32 v28;
	v11 =	vmul.f32 $1.000000000e+04, v29;
	v31 =	vpop (erf)  }
0x1e3: {  	vm15 =	vge.f32 v30, $5.000000000e-01;
	v10 =	vcvt.f32.s32 v10;
	v13 =	vmul.f32 $1.000000000e+04, v31;
	v33 =	vpop (erf)  }
0x1e4: {  	vm6 =	vge.f32 v35, $5.000000000e-01;
	v11 =	vtrunc.f32 v11;
	v15 =	vmul.f32 $1.000000000e+04, v33  }
0x1e5: {  	vm5 =	vge.f32 v32, $5.000000000e-01;
	v11 =	vcvt.f32.s32 v11;
	v13 =	vtrunc.f32 v13  }
0x1e6: {  	v34 =	vadd.s32 $0x2800, v10;
	v13 =	vcvt.f32.s32 v13;
	v15 =	vtrunc.f32 v15  }
0x1e7: {  	v10 =	vsel vm14, v34, v10;
	v36 =	vadd.s32 $0x2800, v11;
	v37 =	vcvt.f32.s32 v15  }
0x1e8: {  	v10 =	vsel vm0, v10, v1;
	v11 =	vsel vm15, v36, v11;
	v39 =	vadd.s32 $0x2800, v13  }
0x1e9: {  	[tilespmem:s14+$0x60] =	vst v10;
	v38 =	vsel vm1, v11, v1;
	v41 =	vsel vm5, v39, v13;
	v42 =	vadd.s32 $0x2800, v37  }
0x1ea: {  	vm7 =	vmand vm10, vm11;
	v40 =	vld [tilespmem:s3+$0x30];
	[tilespmem:s18+$0x50] =	vst v38;
	v10 =	vsel vm13, v41, v1;
	v11 =	vsel vm6, v42, v37  }
0x1eb: {  	v43 =	vld [tilespmem:s15+$0x20];
	[tilespmem:s24+$0x40] =	vst v10;
	v44 =	vsel vm7, v11, v1  }
0x1ec: {  	v45 =	vld [tilespmem:s1+$0x10];
	[tilespmem:s20+$0x30] =	vst v44  }
0x1ed: {  	v10 =	vld [tilespmem:s6+$0x0];
	_ =	sdelay $0x1  }
0x1ee: {  	v46 =	vsub.f32 $0.0e+00, v40  }
0x1ef: {  	v13 =	vsub.f32 $0.0e+00, v43  }
0x1f0: {  	v12 =	vmul.f32 $1.442695020e+00, v46;
	v11 =	vsub.f32 $0.0e+00, v45  }
0x1f1: {  	v13 =	vmul.f32 $1.442695020e+00, v13;
	v10 =	vsub.f32 $0.0e+00, v10  }
0x1f2: {  	(erf) = vpow2.f32 v12;
	v11 =	vmul.f32 $1.442695020e+00, v11  }
0x1f3: {  	(erf) = vpow2.f32 v13;
	v10 =	vmul.f32 $1.442695020e+00, v10  }
0x1f4: {  	(erf) = vpow2.f32 v11  }
0x1f5: {  	(erf) = vpow2.f32 v10;
	_ =	sdelay $0x5  }
0x1f6: {  	v47 =	vpop (erf)  }
0x1f7: {  	v10 =	vadd.f32 $1.000000000e+00, v47;
	v48 =	vpop (erf)  }
0x1f8: {  	v11 =	vadd.f32 $1.000000000e+00, v48;
	v49 =	vpop (erf)  }
0x1f9: {  	(erf) = vrcp.f32 v10;
	v10 =	vadd.f32 $1.000000000e+00, v49;
	v50 =	vpop (erf)  }
0x1fa: {  	(erf) = vrcp.f32 v11;
	v11 =	vadd.f32 $1.000000000e+00, v50  }
0x1fb: {  	(erf) = vrcp.f32 v10  }
0x1fc: {  	(erf) = vrcp.f32 v11;
	_ =	sdelay $0x4  }
0x1fd: {  	s7 =	sadd.s32 $0x50, s10;
	s8 =	sadd.s32 $0x60, s17  }
0x1fe: {  	s11 =	sadd.s32 $0x40, s12;
	v51 =	vadd.s32 s7, v0;
	v52 =	vadd.s32 s8, v0;
	v10 =	vpop (erf)  }
0x1ff: {  	v55 =	vadd.s32 s11, v0;
	vm9 =	vge.u32 v52, v2;
	vm10 =	vge.u32 v51, v2;
	v54 =	vld [tilespmem:s13+$0x20];
	v53 =	vpop (erf)  }
0x200: {  	vm11 =	vlt.u32 v52, v3;
	vm12 =	vge.u32 v55, v2;
	v58 =	vld [tilespmem:s26+$0x10];
	v13 =	vmul.f32 $1.000000000e+04, v53;
	v56 =	vpop (erf)  }
0x201: {  	vm14 =	vlt.u32 v55, v3;
	vm0 =	vmand vm9, vm11;
	v60 =	vld [tilespmem:s30+$0x0];
	v12 =	vmul.f32 $1.000000000e+04, v56;
	v59 =	vpop (erf)  }
0x202: {  	vm13 =	vlt.u32 v51, v3;
	v57 =	vtrunc.f32 v13;
	v16 =	vmul.f32 $1.000000000e+04, v59  }
0x203: {  	vm1 =	vmand vm10, vm13;
	v11 =	vcvt.f32.s32 v57;
	v12 =	vtrunc.f32 v12  }
0x204: {  	vm15 =	vge.f32 v54, $5.000000000e-01;
	v12 =	vcvt.f32.s32 v12;
	v16 =	vtrunc.f32 v16  }
0x205: {  	vm9 =	vge.f32 v58, $5.000000000e-01;
	v61 =	vadd.s32 $0x2800, v11;
	v62 =	vcvt.f32.s32 v16  }
0x206: {  	vm10 =	vge.f32 v60, $5.000000000e-01;
	v11 =	vsel vm15, v61, v11;
	v63 =	vadd.s32 $0x2800, v12  }
0x207: {  	v11 =	vsel vm0, v11, v1;
	v12 =	vsel vm9, v63, v12;
	v16 =	vadd.s32 $0x2800, v62  }
0x208: {  	vm11 =	vmand vm12, vm14;
	[tilespmem:s18+$0x60] =	vst v11;
	v17 =	vsel vm1, v12, v1;
	v18 =	vsel vm10, v16, v62  }
0x209: {  	v19 =	vld [tilespmem:s15+$0x30];
	[tilespmem:s24+$0x50] =	vst v17;
	v20 =	vsel vm11, v18, v1  }
0x20a: {  	v21 =	vld [tilespmem:s1+$0x20];
	[tilespmem:s20+$0x40] =	vst v20  }
0x20b: {  	v11 =	vld [tilespmem:s6+$0x10];
	_ =	sdelay $0x2  }
0x20c: {  	v13 =	vsub.f32 $0.0e+00, v19  }
0x20d: {  	v12 =	vsub.f32 $0.0e+00, v21  }
0x20e: {  	v13 =	vmul.f32 $1.442695020e+00, v13;
	v11 =	vsub.f32 $0.0e+00, v11  }
0x20f: {  	v12 =	vmul.f32 $1.442695020e+00, v12  }
0x210: {  	(erf) = vpow2.f32 v13;
	v11 =	vmul.f32 $1.442695020e+00, v11  }
0x211: {  	(erf) = vpow2.f32 v12  }
0x212: {  	(erf) = vpow2.f32 v11;
	_ =	sdelay $0x6  }
0x213: {  	v22 =	vpop (erf)  }
0x214: {  	v11 =	vadd.f32 $1.000000000e+00, v22;
	v12 =	vpop (erf)  }
0x215: {  	v12 =	vadd.f32 $1.000000000e+00, v12;
	v23 =	vpop (erf)  }
0x216: {  	(erf) = vrcp.f32 v11;
	v24 =	vadd.f32 $1.000000000e+00, v23  }
0x217: {  	(erf) = vrcp.f32 v12  }
0x218: {  	(erf) = vrcp.f32 v24;
	_ =	sdelay $0x6  }
0x219: {  	v25 =	vpop (erf)  }
0x21a: {  	v12 =	vpop (erf)  }
0x21b: {  	s16 =	smov.u32 s14;
	s14 =	sadd.s32 $0x60, s10;
	v26 =	vld [tilespmem:s26+$0x20];
	v12 =	vmul.f32 $1.000000000e+04, v12;
	v27 =	vpop (erf)  }
0x21c: {  	v28 =	vadd.s32 s14, v0;
	v29 =	vld [tilespmem:s30+$0x10];
	v14 =	vmul.f32 $1.000000000e+04, v27  }
0x21d: {  	vm12 =	vge.u32 v28, v2;
	vm14 =	vlt.u32 v28, v3;
	s15 =	sadd.s32 $0x50, s12;
	v12 =	vtrunc.f32 v12  }
0x21e: {  	v30 =	vadd.s32 s15, v0;
	v12 =	vcvt.f32.s32 v12;
	v14 =	vtrunc.f32 v14  }
0x21f: {  	vm0 =	vmand vm12, vm14;
	vm13 =	vge.u32 v30, v2;
	v14 =	vcvt.f32.s32 v14  }
0x220: {  	vm15 =	vlt.u32 v30, v3;
	vm5 =	vge.f32 v26, $5.000000000e-01;
	v31 =	vadd.s32 $0x2800, v12  }
0x221: {  	vm6 =	vge.f32 v29, $5.000000000e-01;
	v12 =	vsel vm5, v31, v12;
	v32 =	vadd.s32 $0x2800, v14  }
0x222: {  	vm1 =	vmand vm13, vm15;
	v12 =	vsel vm0, v12, v1;
	v13 =	vsel vm6, v32, v14  }
0x223: {  	[tilespmem:s24+$0x60] =	vst v12;
	v33 =	vsel vm1, v13, v1  }
0x224: {  	v34 =	vld [tilespmem:s1+$0x30];
	[tilespmem:s20+$0x50] =	vst v33  }
0x225: {  	v12 =	vld [tilespmem:s6+$0x20];
	_ =	sdelay $0x3  }
0x226: {  	v13 =	vsub.f32 $0.0e+00, v34  }
0x227: {  	v12 =	vsub.f32 $0.0e+00, v12  }
0x228: {  	v13 =	vmul.f32 $1.442695020e+00, v13  }
0x229: {  	v12 =	vmul.f32 $1.442695020e+00, v12  }
0x22a: {  	(erf) = vpow2.f32 v13  }
0x22b: {  	(erf) = vpow2.f32 v12;
	_ =	sdelay $0x7  }
0x22c: {  	v35 =	vpop (erf)  }
0x22d: {  	v12 =	vadd.f32 $1.000000000e+00, v35;
	v36 =	vpop (erf)  }
0x22e: {  	v13 =	vadd.f32 $1.000000000e+00, v36  }
0x22f: {  	(erf) = vrcp.f32 v12  }
0x230: {  	(erf) = vrcp.f32 v13;
	_ =	sdelay $0x7  }
0x231: {  	v12 =	vpop (erf)  }
0x232: {  	v13 =	vpop (erf)  }
0x233: {  	v37 =	vld [tilespmem:s30+$0x20];
	v13 =	vmul.f32 $1.000000000e+04, v13;
	_ =	sdelay $0x1  }
0x234: {  	s4 =	sadd.s32 $0x60, s12;
	v13 =	vtrunc.f32 v13  }
0x235: {  	v38 =	vadd.s32 s4, v0;
	v13 =	vcvt.f32.s32 v13  }
0x236: {  	vm7 =	vge.u32 v38, v2  }
0x237: {  	vm9 =	vlt.u32 v38, v3;
	vm10 =	vge.f32 v37, $5.000000000e-01;
	v39 =	vadd.s32 $0x2800, v13  }
0x238: {  	vm0 =	vmand vm7, vm9;
	v13 =	vsel vm10, v39, v13  }
0x239: {  	v13 =	vsel vm0, v13, v1  }
0x23a: {  	[tilespmem:s20+$0x60] =	vst v13  }
0x23b: {  	v13 =	vld [tilespmem:s6+$0x30];
	_ =	sdelay $0x3  }
0x23c: {  	v6 =	vmul.f32 $1.000000000e+04, v6  }
0x23d: {  	v7 =	vmul.f32 $1.000000000e+04, v7;
	v13 =	vsub.f32 $0.0e+00, v13  }
0x23e: {  	v6 =	vtrunc.f32 v6  }
0x23f: {  	v7 =	vtrunc.f32 v7;
	v13 =	vmul.f32 $1.442695020e+00, v13  }
0x240: {  	v7 =	vcvt.f32.s32 v7;
	v8 =	vmul.f32 $1.000000000e+04, v8  }
0x241: {  	v9 =	vmul.f32 $1.000000000e+04, v9;
	(erf) = vpow2.f32 v13  }
0x242: {  	v8 =	vtrunc.f32 v8;
	v43 =	vld [tilespmem:s5+$0x30];
	v10 =	vmul.f32 $1.000000000e+04, v10  }
0x243: {  	v8 =	vcvt.f32.s32 v8;
	v9 =	vtrunc.f32 v9;
	v40 =	vld [tilespmem:s25+$0x30]  }
0x244: {  	s11 =	sadd.s32 $0x70, s0;
	v9 =	vcvt.f32.s32 v9;
	v10 =	vtrunc.f32 v10  }
0x245: {  	v6 =	vcvt.f32.s32 v6;
	v44 =	vadd.s32 s11, v0;
	v45 =	vld [tilespmem:s31+$0x30];
	v10 =	vcvt.f32.s32 v10  }
0x246: {  	v46 =	vadd.s32 $0x2800, v7;
	v48 =	vadd.s32 $0x2800, v8;
	v53 =	vadd.s32 $0x2800, v9  }
0x247: {  	s14 =	sadd.s32 $0x70, s28;
	v55 =	vadd.s32 $0x2800, v10;
	vm12 =	vge.f32 v43, $5.000000000e-01;
	v11 =	vmul.f32 $1.000000000e+04, v25  }
0x248: {  	v52 =	vld [tilespmem:s2+$0x30];
	v7 =	vsel vm12, v46, v7;
	v18 =	vadd.s32 s14, v0;
	vm11 =	vge.f32 v40, $5.000000000e-01  }
0x249: {  	v20 =	vadd.s32 $0x2800, v6;
	vm4 =	vlt.u32 v18, v3;
	v11 =	vtrunc.f32 v11  }
0x24a: {  	v6 =	vsel vm11, v20, v6;
	vm15 =	vge.f32 v45, $5.000000000e-01;
	v56 =	vcvt.f32.s32 v11;
	v49 =	vpop (erf)  }
0x24b: {  	s15 =	sadd.s32 $0x70, s17;
	s17 =	sadd.s32 $0x70, s10;
	v8 =	vsel vm15, v48, v8;
	vm15 =	vge.u32 v18, v2;
	s7 =	rddreg [dreg:$0x7];
	v51 =	vld [tilespmem:$0x1FFF0];
	v50 =	vadd.f32 $1.000000000e+00, v49  }
0x24c: {  	v19 =	vadd.s32 s15, v0;
	v21 =	vadd.s32 s17, v0;
	v59 =	vadd.s32 $0x2800, v56;
	s1 =	sadd.s32 $0x70, s7  }
0x24d: {  	v47 =	vld [tilespmem:s9+$0x30];
	vm5 =	vge.f32 v52, $5.000000000e-01;
	v41 =	vadd.s32 s1, v0;
	(erf) = vrcp.f32 v50  }
0x24e: {  	vm9 =	vge.u32 v44, v2;
	s8 =	rddreg [dreg:$0x9];
	vm0 =	vge.u32 v41, v2;
	vm1 =	vlt.u32 v41, v3  }
0x24f: {  	v58 =	vmul.f32 $1.000000000e+04, v12;
	vm10 =	vlt.u32 v44, v3;
	s3 =	sadd.s32 $0x70, s8;
	vm0 =	vmand vm0, vm1  }
0x250: {  	v42 =	vadd.s32 s3, v0;
	vm11 =	vnez.u8 v51;
	v7 =	vsel vm0, v7, v1  }
0x251: {  	v57 =	vld [tilespmem:s26+$0x30];
	s25 =	rddreg [dreg:$0x5];
	vm13 =	vge.u32 v42, v2;
	vm14 =	vlt.u32 v42, v3;
	vm6 =	vmand vm11, vm8;
	[tilespmem:s23+$0x70] =	vst v7  }
0x252: {  	vm12 =	vmand vm13, vm14;
	vm13 =	vge.f32 v47, $5.000000000e-01;
	v6 =	vsel vm6, v6, v1;
	[spmem:s19] =	stream.indirect.scatter.add.f32 [tilespmem:s22], [sflag:$0x1], $0x1, s23, s21, $0xb8;
	[tilespmem:$0x3380] =	vst v63  }
0x253: {  	v54 =	vld [tilespmem:s13+$0x30];
	vm7 =	vlt.u32 v19, v3;
	vm14 =	vmand vm9, vm10;
	v9 =	vsel vm13, v53, v9;
	[tilespmem:s25+$0x70] =	vst v6  }
0x254: {  	v60 =	vtrunc.f32 v58;
	vm9 =	vge.u32 v21, v2;
	v6 =	vsel vm14, v9, v1;
	[spmem:s19] =	stream.indirect.scatter.add.f32 [tilespmem:s22], [sflag:$0x1], $0x1, s25, s21, $0xb8;
	[tilespmem:$0x3380] =	vst v63  }
0x255: {  	vm10 =	vlt.u32 v21, v3;
	vm0 =	vmand vm15, vm4;
	v7 =	vsel vm5, v55, v10;
	s26 =	rddreg [dreg:$0x15];
	[tilespmem:s29+$0x70] =	vst v6  }
0x256: {  	v62 =	vld [tilespmem:s30+$0x30];
	v8 =	vsel vm12, v8, v1;
	vm12 =	vge.f32 v57, $5.000000000e-01;
	v7 =	vsel vm0, v7, v1;
	[spmem:s19] =	stream.indirect.scatter.add.f32 [tilespmem:s22], [sflag:$0x1], $0x1, s29, s21, $0xb8;
	v61 =	vpop (erf)  }
0x257: {  	vm6 =	vge.u32 v19, v2;
	v6 =	vcvt.f32.s32 v60;
	[tilespmem:s16+$0x70] =	vst v7;
	v63 =	vmul.f32 $1.000000000e+04, v61  }
0x258: {  	vm8 =	vge.f32 v54, $5.000000000e-01;
	vm11 =	vmand vm9, vm10;
	vm1 =	vmand vm6, vm7;
	[spmem:s19] =	stream.indirect.scatter.add.f32 [tilespmem:s22], [sflag:$0x1], $0x1, s16, s21, $0xb8;
	[tilespmem:$0x3380] =	vst v63  }
0x259: {  	s28 =	sadd.s32 $0x70, s12;
	[tilespmem:s26+$0x70] =	vst v8;
	v8 =	vsel vm8, v59, v56;
	v7 =	vadd.s32 $0x2800, v6;
	v9 =	vtrunc.f32 v63  }
0x25a: {  	[spmem:s19] =	stream.indirect.scatter.add.f32 [tilespmem:s22], [sflag:$0x1], $0x1, s26, s21, $0xb8;
	v8 =	vsel vm1, v8, v1;
	v6 =	vsel vm12, v7, v6;
	v9 =	vcvt.f32.s32 v9;
	[tilespmem:$0x3380] =	vst v63  }
0x25b: {  	vm15 =	vge.f32 v62, $5.000000000e-01;
	v7 =	vadd.s32 s28, v0;
	[tilespmem:s18+$0x70] =	vst v8;
	v6 =	vsel vm11, v6, v1  }
0x25c: {  	vm13 =	vge.u32 v7, v2;
	[spmem:s19] =	stream.indirect.scatter.add.f32 [tilespmem:s22], [sflag:$0x1], $0x1, s18, s21, $0xb8;
	vm14 =	vlt.u32 v7, v3;
	v7 =	vadd.s32 $0x2800, v9;
	[tilespmem:$0x3380] =	vst v63  }
0x25d: {  	[tilespmem:s24+$0x70] =	vst v6;
	vm0 =	vmand vm13, vm14;
	v6 =	vsel vm15, v7, v9  }
0x25e: {  	[spmem:s19] =	stream.indirect.scatter.add.f32 [tilespmem:s22], [sflag:$0x1], $0x1, s24, s21, $0xb8;
	v6 =	vsel vm0, v6, v1;
	[tilespmem:$0x3380] =	vst v63  }
0x25f: {  	s29 =	simm.s32 $0x1;
	[tilespmem:s20+$0x70] =	vst v6  }
0x260: {  	[spmem:s19] =	stream.indirect.scatter.add.f32 [tilespmem:s22], [sflag:$0x1], $0x1, s20, s21, $0xb8;
	[tilespmem:$0x3380] =	vst v63  }
0x261: {  	_ =	swait.ge [sflag:s29], $0x80  }
0x262: {  	[sflag:s29] =	ssyncset.done $0x0  }
0x263: {  	[sflag:s29] =	ssyncadd.s32 $0xFFFFFF80  }
0x264: {  	_ =	swait.ge [sflag:s29], $0x80  }
0x265: {  	[sflag:s29] =	ssyncset.done $0x0  }
0x266: {  	[sflag:s29] =	ssyncadd.s32 $0xFFFFFF80  }
0x267: {  	_ =	swait.ge [sflag:s29], $0x80  }
0x268: {  	[sflag:s29] =	ssyncset.done $0x0  }
0x269: {  	[sflag:s29] =	ssyncadd.s32 $0xFFFFFF80  }
0x26a: {  	_ =	swait.ge [sflag:s29], $0x80  }
0x26b: {  	[sflag:s29] =	ssyncset.done $0x0  }
0x26c: {  	[sflag:s29] =	ssyncadd.s32 $0xFFFFFF80  }
0x26d: {  	_ =	swait.ge [sflag:s29], $0x80  }
0x26e: {  	[sflag:s29] =	ssyncset.done $0x0  }
0x26f: {  	[sflag:s29] =	ssyncadd.s32 $0xFFFFFF80  }
0x270: {  	_ =	swait.ge [sflag:s29], $0x80  }
0x271: {  	[sflag:s29] =	ssyncset.done $0x0  }
0x272: {  	[sflag:s29] =	ssyncadd.s32 $0xFFFFFF80  }
0x273: {  	_ =	swait.ge [sflag:s29], $0x80  }
0x274: {  	[sflag:s29] =	ssyncset.done $0x0  }
0x275: {  	[sflag:s29] =	ssyncadd.s32 $0xFFFFFF80  }
0x276: {  	_ =	swait.ge [sflag:s29], $0x80  }
0x277: {  	[sflag:s29] =	ssyncset.done $0x0  }
0x278: {  	[sflag:s29] =	ssyncadd.s32 $0xFFFFFF80  }
0x279: {  	_ =	swait.ge [sflag:s29], $0x80  }
0x27a: {  	[sflag:s29] =	ssyncset.done $0x0  }
0x27b: {  	[sflag:s29] =	ssyncadd.s32 $0xFFFFFF80  }
0x27c: {  	_ =	swait.ge [sflag:s29], $0x80  }
0x27d: {  	[sflag:s29] =	ssyncset.done $0x0  }
0x27e: {  	[sflag:s29] =	ssyncadd.s32 $0xFFFFFF80  }
0x27f: {  	_ =	swait.ge [sflag:s29], $0x80  }
0x280: {  	[sflag:s29] =	ssyncset.done $0x0  }
0x281: {  	[sflag:s29] =	ssyncadd.s32 $0xFFFFFF80  }
0x282: {  	_ =	swait.ge [sflag:s29], $0x80  }
0x283: {  	[sflag:s29] =	ssyncset.done $0x0  }
0x284: {  	[sflag:s29] =	ssyncadd.s32 $0xFFFFFF80  }
0x285: {  	_ =	swait.ge [sflag:s29], $0x80  }
0x286: {  	[sflag:s29] =	ssyncset.done $0x0  }
0x287: {  	[sflag:s29] =	ssyncadd.s32 $0xFFFFFF80  }
0x288: {  	_ =	swait.ge [sflag:s29], $0x80  }
0x289: {  	[sflag:s29] =	ssyncset.done $0x0  }
0x28a: {  	[sflag:s29] =	ssyncadd.s32 $0xFFFFFF80  }
0x28b: {  	_ =	swait.ge [sflag:s29], $0x80  }
0x28c: {  	[sflag:s29] =	ssyncset.done $0x0  }
0x28d: {  	[sflag:s29] =	ssyncadd.s32 $0xFFFFFF80  }
0x28e: {  	_ =	swait.ge [sflag:s29], $0x80  }
0x28f: {  	[sflag:s29] =	ssyncset.done $0x0  }
0x290: {  	[sflag:s29] =	ssyncadd.s32 $0xFFFFFF80  }
0x291: {  	_ =	swait.ge [sflag:s29], $0x80  }
0x292: {  	[sflag:s29] =	ssyncset.done $0x0  }
0x293: {  	[sflag:s29] =	ssyncadd.s32 $0xFFFFFF80  }
0x294: {  	_ =	swait.ge [sflag:s29], $0x80  }
0x295: {  	[sflag:s29] =	ssyncset.done $0x0  }
0x296: {  	[sflag:s29] =	ssyncadd.s32 $0xFFFFFF80  }
0x297: {  	_ =	swait.ge [sflag:s29], $0x80  }
0x298: {  	[sflag:s29] =	ssyncset.done $0x0  }
0x299: {  	[sflag:s29] =	ssyncadd.s32 $0xFFFFFF80  }
0x29a: {  	_ =	swait.ge [sflag:s29], $0x80  }
0x29b: {  	[sflag:s29] =	ssyncset.done $0x0  }
0x29c: {  	[sflag:s29] =	ssyncadd.s32 $0xFFFFFF80  }
0x29d: {  	_ =	swait.ge [sflag:s29], $0x80  }
0x29e: {  	[sflag:s29] =	ssyncset.done $0x0  }
0x29f: {  	[sflag:s29] =	ssyncadd.s32 $0xFFFFFF80  }
0x2a0: {  	_ =	swait.ge [sflag:s29], $0x80  }
0x2a1: {  	[sflag:s29] =	ssyncset.done $0x0  }
0x2a2: {  	[sflag:s29] =	ssyncadd.s32 $0xFFFFFF80  }
0x2a3: {  	_ =	swait.ge [sflag:s29], $0x80  }
0x2a4: {  	[sflag:s29] =	ssyncset.done $0x0  }
0x2a5: {  	[sflag:s29] =	ssyncadd.s32 $0xFFFFFF80  }
0x2a6: {  	_ =	swait.ge [sflag:s29], $0x80  }
0x2a7: {  	[sflag:s29] =	ssyncset.done $0x0  }
0x2a8: {  	[sflag:s29] =	ssyncadd.s32 $0xFFFFFF80  }
0x2a9: {  	_ =	swait.ge [sflag:s29], $0x80  }
0x2aa: {  	[sflag:s29] =	ssyncset.done $0x0  }
0x2ab: {  	[sflag:s29] =	ssyncadd.s32 $0xFFFFFF80  }
0x2ac: {  	[bflag:$0x0] =	sbarrier.arrive $0xFFFF  }
0x2ad: {  	s0 =	simm.s32 @!p0 $0x1;
	s2 =	simm.s32 @!p0 $0x10;
	s4 =	rddreg [dreg:$0x11]  }
0x2ae: {  	s1 =	simm.s32 @!p0 $0x20;
	s3 =	simm.s32 @!p0 $0x1C03;
	s5 =	rddreg [dreg:$0x13]  }
0x2af: {  	[hbm:s4@s1], [sflag:s3] =	dma.strided @!p0 [spmem:s5@s2], $0xA00, s0, $0x10   }
0x2b0: {  	s0 =	simm.s32 @!p0 $0x3  }
0x2b1: {  	_ =	swait.ge @!p0 [sflag:s0], $0xA00  }
0x2b2: {  	s30 =	rddreg [dreg:$0x14]  }
0x2b3: {  	s31 =	rddreg [dreg:$0x12];
	s2 =	sadd.s32 $0x1, s30  }
0x2b4: {  	p1 =	sne.s32 s2, s31  }
.Ltmp2:
0x2b5: {  	_ = 	snop;
	(pc) =	sbr.rel @p1 .LBB2_1-.Ltmp2, $3  }
0x2b6: {  	_ =	sdelay $0x1  }
0x2b7: {  	[sflag:s0] =	ssyncset.done @!p0 $0x0  }
0x2b8: {  	[sflag:s0] =	ssyncadd.s32 @!p0 $0xFFFFF600  }
0x2b9: {  	_ =	sfence.sel $0x180000  }
0x2ba: {  	[bflag:$0x0] =	sbarrier.arrive $0xFFFF  }
0x2bb: {  	_ =	strace $0x90000047  }
0x2bc: {  	[bflag:$0x2] =	sbarrier.arrive $0xFFFF  }
0x2bd: {  	s0 =	rddreg [dreg:$0x4]  }
0x2be: {  	s0 =	sadd.s32 @!p0 $0x100000, s0  }
0x2bf: {  	[sflag:s0] =	ssyncadd.tile.s32 @!p0 $0x1;
	_ =	shalt  }
.Lfunc_end2:
_tile_overlayer_lowered:
.L_overlay_start_2:
0x2c0: {  	(tag) =	ssettag $0x2  }
0x2c1: {  	s0 =	rddreg [dreg:$0x0];
	s2 =	stileid.u32  }
0x2c2: {  	s1 =	rddreg [dreg:$0x1];
	p0 =	sne.s32 s2, $0x0  }
0x2c3: {  	s3 =	rddreg [dreg:$0x2];
	[bflag:$0x3] =	sbarrier.arrive $0xFFFF;
	s2 =	simm.s32 @!p0 $0x1C03  }
0x2c4: {  	[timem:s3], [sflag:s2] =	dma.local @!p0 [hbm:s0], s1  }
0x2c5: {  	s0 =	simm.s32 @!p0 $0x3  }
0x2c6: {  	_ =	swait.ge @!p0 [sflag:s0], s1  }
0x2c7: {  	s1 =	ssub.s32 @!p0 $0x0, s1;
	[sflag:s0] =	ssyncset.done @!p0 $0x0  }
0x2c8: {  	[sflag:s0] =	ssyncadd.s32 @!p0 s1  }
0x2c9: {  	[bflag:$0x3] =	sbarrier.arrive $0xFFFF  }
0x2ca: {  	_ =	shalt  }

</sc_bundles>
